<compile_context>
chip_gen: v7x
topology: tpu7x:2x2x1
jax: 0.10.2.dev20260603
libtpu: 0.0.44.dev20260713+nightly
codegen_flags: <defaults>
</compile_context>

<pallas_src>
import functools

import jax
import jax.numpy as jnp
from jax import lax
from jax.experimental import pallas as pl
from jax.experimental.pallas import tpu as pltpu
from jax.experimental.pallas import tpu_sc as plsc


def kernel(gammas, candidates, p_enc, q_enc, p_mask, q_mask):
    B, P, T = gammas.shape
    NC = candidates.shape[1]
    d = T // 2

    info = plsc.get_sparse_core_info()
    NCORE = info.num_cores
    NW = NCORE * info.num_subcores
    WPB = NW // B
    W = NC // WPB
    CH = 128
    nchk = W // CH

    mesh = plsc.VectorSubcoreMesh(core_axis_name="c", subcore_axis_name="s")

    @functools.partial(
        pl.kernel,
        mesh=mesh,
        out_type=jax.ShapeDtypeStruct((B, NC, T), jnp.float32),
        scratch_types=[
            pltpu.VMEM((nchk, CH), jnp.int32),
            pltpu.VMEM((nchk, CH), jnp.int32),
            pltpu.VMEM((3, CH, T), jnp.float32),
            pltpu.SemaphoreType.DMA,
            pltpu.SemaphoreType.DMA,
            pltpu.SemaphoreType.DMA,
            pltpu.SemaphoreType.DMA,
            pltpu.SemaphoreType.DMA,
            pltpu.SemaphoreType.DMA,
        ],
    )
    def sc_gather(gam_hbm, first_hbm, last_hbm, out_hbm, idxf_v, idxl_v,
                  bufs, sg0, sg1, sg2, ss0, ss1, ss2):
        wid = lax.axis_index("s") * NCORE + lax.axis_index("c")
        b = wid // WPB
        c0 = (wid % WPB) * W
        sg = (sg0, sg1, sg2)
        ss = (ss0, ss1, ss2)

        r0 = (wid % WPB) * nchk
        pltpu.sync_copy(first_hbm.at[b, pl.ds(r0, nchk)], idxf_v)
        pltpu.sync_copy(last_hbm.at[b, pl.ds(r0, nchk)], idxl_v)

        gam_f = gam_hbm.at[b, :, pl.ds(0, d)]
        gam_l = gam_hbm.at[b, :, pl.ds(d, d)]

        def gather_descs(g, k):
            return (
                pltpu.make_async_copy(gam_f.at[idxf_v.at[g]],
                                      bufs.at[k, :, pl.ds(0, d)], sg[k]),
                pltpu.make_async_copy(gam_l.at[idxl_v.at[g]],
                                      bufs.at[k, :, pl.ds(d, d)], sg[k]),
            )

        def issue_gathers(g, k):
            for c in gather_descs(g, k):
                c.start()

        def wait_gathers(g, k):
            for c in gather_descs(g, k):
                c.wait()

        def scatter_desc(g, k):
            return pltpu.make_async_copy(
                bufs.at[k], out_hbm.at[b, pl.ds(c0 + g * CH, CH)], ss[k])

        def step(t, carry):
            for k in range(3):
                g = 3 * t + k

                @pl.when(t > 0)
                def _():
                    scatter_desc(g - 3, k).wait()

                issue_gathers(g, k)
                gm2 = g - 2
                km2 = (k + 1) % 3

                @pl.when(gm2 >= 0)
                def _():
                    wait_gathers(gm2, km2)
                    scatter_desc(gm2, km2).start()

            return carry

        nfull = (nchk // 3) * 3
        lax.fori_loop(0, nchk // 3, step, 0)

        for g in range(nfull, nchk):
            k = g % 3
            scatter_desc(g - 3, k).wait()
            issue_gathers(g, k)
            wait_gathers(g - 2, (k + 1) % 3)
            scatter_desc(g - 2, (k + 1) % 3).start()

        for g in range(nchk - 2, nchk):
            wait_gathers(g, g % 3)
            scatter_desc(g, g % 3).start()
        for g in range(nchk - 3, nchk):
            scatter_desc(g, g % 3).wait()

    first_idx = candidates[:, :, 0].reshape(B, NC // CH, CH)
    last_idx = candidates[:, :, 1].reshape(B, NC // CH, CH)
    return sc_gather(gammas, first_idx, last_idx)

# --- scband reference (transcript-rebuilt; emitter-appended) ---
"""Pipeline reference for scband-chunk-representation-layer-31387620999745 (READ-ONLY COPY).

The authoritative reference and input builder live on the scoring server;
editing this copy changes nothing except your own understanding.
"""

import jax, jax.numpy as jnp
import numpy as np


def setup_inputs(seed: int = 0) -> dict:
    key = jax.random.key(seed)
    k1, k2, k3, k4 = jax.random.split(key, 4)
    B, P, T = 16, 2048, 256
    NC = 4096
    gammas = jax.random.normal(k1, (B, P, T), dtype=jnp.float32)
    candidates = jax.random.randint(k2, (B, NC, 2), 0, P, dtype=jnp.int32)
    p_enc = jax.random.normal(k3, (B, P, T), dtype=jnp.float32)
    q_enc = jax.random.normal(k4, (B, 512, T), dtype=jnp.float32)
    p_mask = jnp.ones((B, P), dtype=bool)
    q_mask = jnp.ones((B, 512), dtype=bool)
    return {"gammas": gammas, "candidates": candidates, "p_enc": p_enc, "q_enc": q_enc, "p_mask": p_mask, "q_mask": q_mask}


def reference(gammas, candidates, p_enc, q_enc, p_mask, q_mask):
    # gammas: [B, p_len, 2d]; candidates: [B, num_candidates, 2]
    t = gammas.shape[-1]
    d = t // 2
    forward_gammas = gammas[:, :, :d]
    backward_gammas = gammas[:, :, d:]
    first_word_idx = candidates[:, :, 0:1]  # [B, NC, 1]
    last_word_idx = candidates[:, :, 1:2]   # [B, NC, 1]
    # gather along sequence axis; index broadcasts across feature dim
    first_forward_gammas = jnp.take_along_axis(forward_gammas, first_word_idx, axis=1)
    last_backward_gammas = jnp.take_along_axis(backward_gammas, last_word_idx, axis=1)
    chunk_repr = jnp.concatenate((first_forward_gammas, last_backward_gammas), axis=-1)
    return chunk_repr

if __name__ == "__main__":
    import jax
    _d = setup_inputs()
    print(jax.jit(kernel)(*tuple(_d.values())))

</pallas_src>

<mosaic_0001>
#map = affine_map<(d0, d1) -> (0, 0, 0)>
module attributes {stable_mosaic.version = 14 : i64} {
  func.func @sc_gather(%arg0: i32, %arg1: i32, %arg2: memref<16x2048x256xf32, #tpu.memory_space<hbm>>, %arg3: memref<16x32x128xi32, #tpu.memory_space<hbm>>, %arg4: memref<16x32x128xi32, #tpu.memory_space<hbm>>, %arg5: memref<16x4096x256xf32, #tpu.memory_space<hbm>>, %arg6: memref<16x128xi32, #tpu.memory_space<vmem>>, %arg7: memref<16x128xi32, #tpu.memory_space<vmem>>, %arg8: memref<3x128x256xf32, #tpu.memory_space<vmem>>, %arg9: memref<!tpu.dma_semaphore, #tpu.memory_space<semaphore_mem>>, %arg10: memref<!tpu.dma_semaphore, #tpu.memory_space<semaphore_mem>>, %arg11: memref<!tpu.dma_semaphore, #tpu.memory_space<semaphore_mem>>, %arg12: memref<!tpu.dma_semaphore, #tpu.memory_space<semaphore_mem>>, %arg13: memref<!tpu.dma_semaphore, #tpu.memory_space<semaphore_mem>>, %arg14: memref<!tpu.dma_semaphore, #tpu.memory_space<semaphore_mem>>) attributes {dimension_semantics = [#tpu.dimension_semantics<core_parallel>, #tpu.dimension_semantics<subcore_parallel>], iteration_bounds = array<i64: 2, 16>, scalar_prefetch = 0 : i64, scratch_operands = 9 : i64, tpu.core_type = #tpu.core_type<sc_vector_subcore>, window_params = [{transform_indices = #map}, {transform_indices = #map}, {transform_indices = #map}, {transform_indices = #map}]} {
    %mul3A = arith.constant 2 : i32
    %mul3A_0 = arith.muli %arg1, %mul3A : i32
    %add3A = arith.addi %mul3A_0, %arg0 : i32
    %jit3A = arith.constant 2 : i32
    %div3A = arith.divsi %add3A, %jit3A : i32
    %sign3A = arith.constant 0 : i32
    %sign3A_1 = arith.cmpi sgt, %add3A, %sign3A : i32
    %sign3A_2 = arith.extui %sign3A_1 : i1 to i32
    %sign3A_3 = arith.constant 0 : i32
    %sign3A_4 = arith.cmpi slt, %add3A, %sign3A_3 : i32
    %sign3A_5 = arith.extui %sign3A_4 : i1 to i32
    %sign3A_6 = arith.subi %sign3A_2, %sign3A_5 : i32
    %sign3A_7 = arith.constant 0 : i32
    %sign3A_8 = arith.cmpi sgt, %jit3A, %sign3A_7 : i32
    %sign3A_9 = arith.extui %sign3A_8 : i1 to i32
    %sign3A_10 = arith.constant 0 : i32
    %sign3A_11 = arith.cmpi slt, %jit3A, %sign3A_10 : i32
    %sign3A_12 = arith.extui %sign3A_11 : i1 to i32
    %sign3A_13 = arith.subi %sign3A_9, %sign3A_12 : i32
    %ne3A = arith.cmpi ne, %sign3A_6, %sign3A_13 : i32
    %rem3A = arith.remsi %add3A, %jit3A : i32
    %ne3A_14 = arith.constant 0 : i32
    %ne3A_15 = arith.cmpi ne, %rem3A, %ne3A_14 : i32
    %and3A = arith.andi %ne3A, %ne3A_15 : i1
    %sub3A = arith.constant 1 : i32
    %sub3A_16 = arith.subi %div3A, %sub3A : i32
    %select_n3A = arith.select %and3A, %sub3A_16, %div3A : i32
    %jit3A_17 = arith.constant 2 : i32
    %eq3A = arith.constant 0 : i32
    %eq3A_18 = arith.cmpi eq, %jit3A_17, %eq3A : i32
    %jit3A_19 = arith.constant 1 : i32
    %select_n3A_20 = arith.select %eq3A_18, %jit3A_19, %jit3A_17 : i32
    %rem3A_21 = arith.remsi %add3A, %select_n3A_20 : i32
    %ne3A_22 = arith.constant 0 : i32
    %ne3A_23 = arith.cmpi ne, %rem3A_21, %ne3A_22 : i32
    %lt3A = arith.constant 0 : i32
    %lt3A_24 = arith.cmpi slt, %rem3A_21, %lt3A : i32
    %lt3A_25 = arith.constant 0 : i32
    %lt3A_26 = arith.cmpi slt, %select_n3A_20, %lt3A_25 : i32
    %ne3A_27 = arith.xori %lt3A_24, %lt3A_26 : i1
    %and3A_28 = arith.andi %ne3A_27, %ne3A_23 : i1
    %add3A_29 = arith.addi %rem3A_21, %select_n3A_20 : i32
    %select_n3A_30 = arith.select %and3A_28, %add3A_29, %rem3A_21 : i32
    %mul3A_31 = arith.constant 2048 : i32
    %mul3A_32 = arith.muli %select_n3A_30, %mul3A_31 : i32
    %jit3A_33 = arith.constant 2 : i32
    %eq3A_34 = arith.constant 0 : i32
    %eq3A_35 = arith.cmpi eq, %jit3A_33, %eq3A_34 : i32
    %jit3A_36 = arith.constant 1 : i32
    %select_n3A_37 = arith.select %eq3A_35, %jit3A_36, %jit3A_33 : i32
    %rem3A_38 = arith.remsi %add3A, %select_n3A_37 : i32
    %ne3A_39 = arith.constant 0 : i32
    %ne3A_40 = arith.cmpi ne, %rem3A_38, %ne3A_39 : i32
    %lt3A_41 = arith.constant 0 : i32
    %lt3A_42 = arith.cmpi slt, %rem3A_38, %lt3A_41 : i32
    %lt3A_43 = arith.constant 0 : i32
    %lt3A_44 = arith.cmpi slt, %select_n3A_37, %lt3A_43 : i32
    %ne3A_45 = arith.xori %lt3A_42, %lt3A_44 : i1
    %and3A_46 = arith.andi %ne3A_45, %ne3A_40 : i1
    %add3A_47 = arith.addi %rem3A_38, %select_n3A_37 : i32
    %select_n3A_48 = arith.select %and3A_46, %add3A_47, %rem3A_38 : i32
    %mul3A_49 = arith.constant 16 : i32
    %mul3A_50 = arith.muli %select_n3A_48, %mul3A_49 : i32
    "tpu.region"() ({
      %run_scoped3A = tpu.sem_alloc : memref<!tpu.dma_semaphore, #tpu.memory_space<semaphore_mem>>
      %dma_start3A_301 = arith.constant 0 : i32
      %dma_start3A_302 = tpu.memref_slice %arg3[%select_n3A, %mul3A_50, %dma_start3A_301] : memref<16x32x128xi32, #tpu.memory_space<hbm>> -> memref<1x16x128xi32, #tpu.memory_space<hbm>>
      %dma_start3A_303 = tpu.memref_squeeze %dma_start3A_302 : memref<1x16x128xi32, #tpu.memory_space<hbm>> -> memref<16x128xi32, #tpu.memory_space<hbm>>
      %dma_start3A_304 = arith.constant 0 : i32
      %dma_start3A_305 = tpu.memref_slice %arg3[%select_n3A, %mul3A_50, %dma_start3A_304] : memref<16x32x128xi32, #tpu.memory_space<hbm>> -> memref<1x16x128xi32, #tpu.memory_space<hbm>>
      %dma_start3A_306 = tpu.memref_squeeze %dma_start3A_305 : memref<1x16x128xi32, #tpu.memory_space<hbm>> -> memref<16x128xi32, #tpu.memory_space<hbm>>
      tpu.enqueue_dma source(%dma_start3A_306 : memref<16x128xi32, #tpu.memory_space<hbm>>) target(%arg6 : memref<16x128xi32, #tpu.memory_space<vmem>>) target_semaphore(%run_scoped3A : memref<!tpu.dma_semaphore, #tpu.memory_space<semaphore_mem>>)
      %dma_wait3A_307 = arith.constant 0 : i32
      %dma_wait3A_308 = tpu.memref_slice %arg3[%select_n3A, %mul3A_50, %dma_wait3A_307] : memref<16x32x128xi32, #tpu.memory_space<hbm>> -> memref<1x16x128xi32, #tpu.memory_space<hbm>>
      %dma_wait3A_309 = tpu.memref_squeeze %dma_wait3A_308 : memref<1x16x128xi32, #tpu.memory_space<hbm>> -> memref<16x128xi32, #tpu.memory_space<hbm>>
      %dma_wait3A_310 = arith.constant 0 : i32
      %dma_wait3A_311 = tpu.memref_slice %arg3[%select_n3A, %mul3A_50, %dma_wait3A_310] : memref<16x32x128xi32, #tpu.memory_space<hbm>> -> memref<1x16x128xi32, #tpu.memory_space<hbm>>
      %dma_wait3A_312 = tpu.memref_squeeze %dma_wait3A_311 : memref<1x16x128xi32, #tpu.memory_space<hbm>> -> memref<16x128xi32, #tpu.memory_space<hbm>>
      tpu.wait_dma2 semaphore(%run_scoped3A : memref<!tpu.dma_semaphore, #tpu.memory_space<semaphore_mem>>) src(%dma_wait3A_312 : memref<16x128xi32, #tpu.memory_space<hbm>>) dst(%arg6 : memref<16x128xi32, #tpu.memory_space<vmem>>)
      tpu.yield
    }) : () -> ()
    "tpu.region"() ({
      %run_scoped3A = tpu.sem_alloc : memref<!tpu.dma_semaphore, #tpu.memory_space<semaphore_mem>>
      %dma_start3A_301 = arith.constant 0 : i32
      %dma_start3A_302 = tpu.memref_slice %arg4[%select_n3A, %mul3A_50, %dma_start3A_301] : memref<16x32x128xi32, #tpu.memory_space<hbm>> -> memref<1x16x128xi32, #tpu.memory_space<hbm>>
      %dma_start3A_303 = tpu.memref_squeeze %dma_start3A_302 : memref<1x16x128xi32, #tpu.memory_space<hbm>> -> memref<16x128xi32, #tpu.memory_space<hbm>>
      %dma_start3A_304 = arith.constant 0 : i32
      %dma_start3A_305 = tpu.memref_slice %arg4[%select_n3A, %mul3A_50, %dma_start3A_304] : memref<16x32x128xi32, #tpu.memory_space<hbm>> -> memref<1x16x128xi32, #tpu.memory_space<hbm>>
      %dma_start3A_306 = tpu.memref_squeeze %dma_start3A_305 : memref<1x16x128xi32, #tpu.memory_space<hbm>> -> memref<16x128xi32, #tpu.memory_space<hbm>>
      tpu.enqueue_dma source(%dma_start3A_306 : memref<16x128xi32, #tpu.memory_space<hbm>>) target(%arg7 : memref<16x128xi32, #tpu.memory_space<vmem>>) target_semaphore(%run_scoped3A : memref<!tpu.dma_semaphore, #tpu.memory_space<semaphore_mem>>)
      %dma_wait3A_307 = arith.constant 0 : i32
      %dma_wait3A_308 = tpu.memref_slice %arg4[%select_n3A, %mul3A_50, %dma_wait3A_307] : memref<16x32x128xi32, #tpu.memory_space<hbm>> -> memref<1x16x128xi32, #tpu.memory_space<hbm>>
      %dma_wait3A_309 = tpu.memref_squeeze %dma_wait3A_308 : memref<1x16x128xi32, #tpu.memory_space<hbm>> -> memref<16x128xi32, #tpu.memory_space<hbm>>
      %dma_wait3A_310 = arith.constant 0 : i32
      %dma_wait3A_311 = tpu.memref_slice %arg4[%select_n3A, %mul3A_50, %dma_wait3A_310] : memref<16x32x128xi32, #tpu.memory_space<hbm>> -> memref<1x16x128xi32, #tpu.memory_space<hbm>>
      %dma_wait3A_312 = tpu.memref_squeeze %dma_wait3A_311 : memref<1x16x128xi32, #tpu.memory_space<hbm>> -> memref<16x128xi32, #tpu.memory_space<hbm>>
      tpu.wait_dma2 semaphore(%run_scoped3A : memref<!tpu.dma_semaphore, #tpu.memory_space<semaphore_mem>>) src(%dma_wait3A_312 : memref<16x128xi32, #tpu.memory_space<hbm>>) dst(%arg7 : memref<16x128xi32, #tpu.memory_space<vmem>>)
      tpu.yield
    }) : () -> ()
    %scan3A = arith.constant 0 : i32
    %scan3A_51 = arith.constant 0 : i32
    %scan3A_52 = arith.constant 5 : i32
    %scan3A_53 = arith.addi %scan3A_51, %scan3A_52 : i32
    %scan3A_54 = arith.constant 1 : i32
    scf.for %scan3A_301 = %scan3A_51 to %scan3A_53 step %scan3A_54  : i32 {
      %mul3A_302 = arith.constant 3 : i32
      %mul3A_303 = arith.muli %mul3A_302, %scan3A_301 : i32
      %add3A_304 = arith.constant 0 : i32
      %add3A_305 = arith.addi %mul3A_303, %add3A_304 : i32
      %gt3A = arith.constant 0 : i32
      %gt3A_306 = arith.cmpi sgt, %scan3A_301, %gt3A : i32
      %convert_element_type3A = arith.extui %gt3A_306 : i1 to i32
      %cond3A = arith.constant 0 : i32
      %cond3A_307 = arith.cmpi ne, %convert_element_type3A, %cond3A : i32
      scf.if %cond3A_307 {
        %sub3A_436 = arith.constant 3 : i32
        %sub3A_437 = arith.subi %add3A_305, %sub3A_436 : i32
        %mul3A_438 = arith.constant 128 : i32
        %mul3A_439 = arith.muli %sub3A_437, %mul3A_438 : i32
        %add3A_440 = arith.addi %mul3A_32, %mul3A_439 : i32
        %dma_wait3A_441 = arith.constant 0 : i32
        %dma_wait3A_442 = arith.constant 0 : i32
        %dma_wait3A_443 = arith.constant 0 : i32
        %dma_wait3A_444 = tpu.memref_slice %arg8[%dma_wait3A_441, %dma_wait3A_442, %dma_wait3A_443] : memref<3x128x256xf32, #tpu.memory_space<vmem>> -> memref<1x128x256xf32, #tpu.memory_space<vmem>>
        %dma_wait3A_445 = tpu.memref_squeeze %dma_wait3A_444 : memref<1x128x256xf32, #tpu.memory_space<vmem>> -> memref<128x256xf32, #tpu.memory_space<vmem>>
        %dma_wait3A_446 = arith.constant 0 : i32
        %dma_wait3A_447 = tpu.memref_slice %arg5[%select_n3A, %add3A_440, %dma_wait3A_446] : memref<16x4096x256xf32, #tpu.memory_space<hbm>> -> memref<1x128x256xf32, #tpu.memory_space<hbm>>
        %dma_wait3A_448 = tpu.memref_squeeze %dma_wait3A_447 : memref<1x128x256xf32, #tpu.memory_space<hbm>> -> memref<128x256xf32, #tpu.memory_space<hbm>>
        %dma_wait3A_449 = arith.constant 0 : i32
        %dma_wait3A_450 = tpu.memref_slice %arg5[%select_n3A, %add3A_440, %dma_wait3A_449] : memref<16x4096x256xf32, #tpu.memory_space<hbm>> -> memref<1x128x256xf32, #tpu.memory_space<hbm>>
        %dma_wait3A_451 = tpu.memref_squeeze %dma_wait3A_450 : memref<1x128x256xf32, #tpu.memory_space<hbm>> -> memref<128x256xf32, #tpu.memory_space<hbm>>
        %dma_wait3A_452 = arith.constant 0 : i32
        %dma_wait3A_453 = arith.constant 0 : i32
        %dma_wait3A_454 = tpu.memref_slice %arg8[%dma_wait3A_441, %dma_wait3A_452, %dma_wait3A_453] : memref<3x128x256xf32, #tpu.memory_space<vmem>> -> memref<1x128x256xf32, #tpu.memory_space<vmem>>
        %dma_wait3A_455 = tpu.memref_squeeze %dma_wait3A_454 : memref<1x128x256xf32, #tpu.memory_space<vmem>> -> memref<128x256xf32, #tpu.memory_space<vmem>>
        tpu.wait_dma2 semaphore(%arg12 : memref<!tpu.dma_semaphore, #tpu.memory_space<semaphore_mem>>) src(%dma_wait3A_455 : memref<128x256xf32, #tpu.memory_space<vmem>>) dst(%dma_wait3A_451 : memref<128x256xf32, #tpu.memory_space<hbm>>)
      } else {
      }
      %dma_start3A_308 = arith.constant 0 : i32
      %dma_start3A_309 = arith.constant 0 : i32
      %dma_start3A_310 = arith.constant 0 : i32
      %dma_start3A_311 = tpu.memref_slice %arg8[%dma_start3A_308, %dma_start3A_309, %dma_start3A_310] : memref<3x128x256xf32, #tpu.memory_space<vmem>> -> memref<1x128x128xf32, #tpu.memory_space<vmem>>
      %dma_start3A_312 = tpu.memref_squeeze %dma_start3A_311 : memref<1x128x128xf32, #tpu.memory_space<vmem>> -> memref<128x128xf32, #tpu.memory_space<vmem>>
      %dma_start3A_313 = arith.constant 0 : i32
      %dma_start3A_314 = tpu.memref_slice %arg6[%add3A_305, %dma_start3A_313] : memref<16x128xi32, #tpu.memory_space<vmem>> -> memref<1x128xi32, #tpu.memory_space<vmem>>
      %dma_start3A_315 = tpu.memref_squeeze %dma_start3A_314 : memref<1x128xi32, #tpu.memory_space<vmem>> -> memref<128xi32, #tpu.memory_space<vmem>>
      %dma_start3A_316 = arith.constant 0 : i32
      %dma_start3A_317 = arith.constant 0 : i32
      %dma_start3A_318 = tpu.memref_slice %arg2[%select_n3A, %dma_start3A_316, %dma_start3A_317] : memref<16x2048x256xf32, #tpu.memory_space<hbm>> -> memref<1x2048x128xf32, #tpu.memory_space<hbm>>
      %dma_start3A_319 = tpu.memref_squeeze %dma_start3A_318 : memref<1x2048x128xf32, #tpu.memory_space<hbm>> -> memref<2048x128xf32, #tpu.memory_space<hbm>>
      %dma_start3A_320 = arith.constant 0 : i32
      %dma_start3A_321 = arith.constant 0 : i32
      %dma_start3A_322 = tpu.memref_slice %dma_start3A_319[%dma_start3A_320, %dma_start3A_321] : memref<2048x128xf32, #tpu.memory_space<hbm>> -> memref<2048x128xf32, #tpu.memory_space<hbm>>
      tpu.enqueue_indirect_dma source(%dma_start3A_322 : memref<2048x128xf32, #tpu.memory_space<hbm>>) target(%dma_start3A_312 : memref<128x128xf32, #tpu.memory_space<vmem>>) offsets(%dma_start3A_315 : memref<128xi32, #tpu.memory_space<vmem>>) semaphore(%arg9 : memref<!tpu.dma_semaphore, #tpu.memory_space<semaphore_mem>>)
      %dma_start3A_323 = arith.constant 0 : i32
      %dma_start3A_324 = arith.constant 0 : i32
      %dma_start3A_325 = arith.constant 128 : i32
      %dma_start3A_326 = tpu.memref_slice %arg8[%dma_start3A_323, %dma_start3A_324, %dma_start3A_325] : memref<3x128x256xf32, #tpu.memory_space<vmem>> -> memref<1x128x128xf32, #tpu.memory_space<vmem>>
      %dma_start3A_327 = tpu.memref_squeeze %dma_start3A_326 : memref<1x128x128xf32, #tpu.memory_space<vmem>> -> memref<128x128xf32, #tpu.memory_space<vmem>>
      %dma_start3A_328 = arith.constant 0 : i32
      %dma_start3A_329 = tpu.memref_slice %arg7[%add3A_305, %dma_start3A_328] : memref<16x128xi32, #tpu.memory_space<vmem>> -> memref<1x128xi32, #tpu.memory_space<vmem>>
      %dma_start3A_330 = tpu.memref_squeeze %dma_start3A_329 : memref<1x128xi32, #tpu.memory_space<vmem>> -> memref<128xi32, #tpu.memory_space<vmem>>
      %dma_start3A_331 = arith.constant 0 : i32
      %dma_start3A_332 = arith.constant 128 : i32
      %dma_start3A_333 = tpu.memref_slice %arg2[%select_n3A, %dma_start3A_331, %dma_start3A_332] : memref<16x2048x256xf32, #tpu.memory_space<hbm>> -> memref<1x2048x128xf32, #tpu.memory_space<hbm>>
      %dma_start3A_334 = tpu.memref_squeeze %dma_start3A_333 : memref<1x2048x128xf32, #tpu.memory_space<hbm>> -> memref<2048x128xf32, #tpu.memory_space<hbm>>
      %dma_start3A_335 = arith.constant 0 : i32
      %dma_start3A_336 = arith.constant 0 : i32
      %dma_start3A_337 = tpu.memref_slice %dma_start3A_334[%dma_start3A_335, %dma_start3A_336] : memref<2048x128xf32, #tpu.memory_space<hbm>> -> memref<2048x128xf32, #tpu.memory_space<hbm>>
      tpu.enqueue_indirect_dma source(%dma_start3A_337 : memref<2048x128xf32, #tpu.memory_space<hbm>>) target(%dma_start3A_327 : memref<128x128xf32, #tpu.memory_space<vmem>>) offsets(%dma_start3A_330 : memref<128xi32, #tpu.memory_space<vmem>>) semaphore(%arg9 : memref<!tpu.dma_semaphore, #tpu.memory_space<semaphore_mem>>)
      %sub3A_338 = arith.constant 2 : i32
      %sub3A_339 = arith.subi %add3A_305, %sub3A_338 : i32
      %ge3A = arith.constant 0 : i32
      %ge3A_340 = arith.cmpi sge, %sub3A_339, %ge3A : i32
      %convert_element_type3A_341 = arith.extui %ge3A_340 : i1 to i32
      %cond3A_342 = arith.constant 0 : i32
      %cond3A_343 = arith.cmpi ne, %convert_element_type3A_341, %cond3A_342 : i32
      scf.if %cond3A_343 {
        %dma_wait3A_436 = arith.constant 1 : i32
        %dma_wait3A_437 = arith.constant 0 : i32
        %dma_wait3A_438 = arith.constant 0 : i32
        %dma_wait3A_439 = tpu.memref_slice %arg8[%dma_wait3A_436, %dma_wait3A_437, %dma_wait3A_438] : memref<3x128x256xf32, #tpu.memory_space<vmem>> -> memref<1x128x128xf32, #tpu.memory_space<vmem>>
        %dma_wait3A_440 = tpu.memref_squeeze %dma_wait3A_439 : memref<1x128x128xf32, #tpu.memory_space<vmem>> -> memref<128x128xf32, #tpu.memory_space<vmem>>
        %dma_wait3A_441 = arith.constant 0 : i32
        %dma_wait3A_442 = tpu.memref_slice %arg6[%sub3A_339, %dma_wait3A_441] : memref<16x128xi32, #tpu.memory_space<vmem>> -> memref<1x128xi32, #tpu.memory_space<vmem>>
        %dma_wait3A_443 = tpu.memref_squeeze %dma_wait3A_442 : memref<1x128xi32, #tpu.memory_space<vmem>> -> memref<128xi32, #tpu.memory_space<vmem>>
        %dma_wait3A_444 = arith.constant 0 : i32
        %dma_wait3A_445 = arith.constant 0 : i32
        %dma_wait3A_446 = tpu.memref_slice %arg2[%select_n3A, %dma_wait3A_444, %dma_wait3A_445] : memref<16x2048x256xf32, #tpu.memory_space<hbm>> -> memref<1x2048x128xf32, #tpu.memory_space<hbm>>
        %dma_wait3A_447 = tpu.memref_squeeze %dma_wait3A_446 : memref<1x2048x128xf32, #tpu.memory_space<hbm>> -> memref<2048x128xf32, #tpu.memory_space<hbm>>
        %dma_wait3A_448 = arith.constant 0 : i32
        %dma_wait3A_449 = arith.constant 0 : i32
        %dma_wait3A_450 = tpu.memref_slice %dma_wait3A_447[%dma_wait3A_448, %dma_wait3A_449] : memref<2048x128xf32, #tpu.memory_space<hbm>> -> memref<2048x128xf32, #tpu.memory_space<hbm>>
        tpu.wait_indirect_dma semaphore(%arg10 : memref<!tpu.dma_semaphore, #tpu.memory_space<semaphore_mem>>) src(%dma_wait3A_450 : memref<2048x128xf32, #tpu.memory_space<hbm>>) dst(%dma_wait3A_440 : memref<128x128xf32, #tpu.memory_space<vmem>>)
        %dma_wait3A_451 = arith.constant 1 : i32
        %dma_wait3A_452 = arith.constant 0 : i32
        %dma_wait3A_453 = arith.constant 128 : i32
        %dma_wait3A_454 = tpu.memref_slice %arg8[%dma_wait3A_451, %dma_wait3A_452, %dma_wait3A_453] : memref<3x128x256xf32, #tpu.memory_space<vmem>> -> memref<1x128x128xf32, #tpu.memory_space<vmem>>
        %dma_wait3A_455 = tpu.memref_squeeze %dma_wait3A_454 : memref<1x128x128xf32, #tpu.memory_space<vmem>> -> memref<128x128xf32, #tpu.memory_space<vmem>>
        %dma_wait3A_456 = arith.constant 0 : i32
        %dma_wait3A_457 = tpu.memref_slice %arg7[%sub3A_339, %dma_wait3A_456] : memref<16x128xi32, #tpu.memory_space<vmem>> -> memref<1x128xi32, #tpu.memory_space<vmem>>
        %dma_wait3A_458 = tpu.memref_squeeze %dma_wait3A_457 : memref<1x128xi32, #tpu.memory_space<vmem>> -> memref<128xi32, #tpu.memory_space<vmem>>
        %dma_wait3A_459 = arith.constant 0 : i32
        %dma_wait3A_460 = arith.constant 128 : i32
        %dma_wait3A_461 = tpu.memref_slice %arg2[%select_n3A, %dma_wait3A_459, %dma_wait3A_460] : memref<16x2048x256xf32, #tpu.memory_space<hbm>> -> memref<1x2048x128xf32, #tpu.memory_space<hbm>>
        %dma_wait3A_462 = tpu.memref_squeeze %dma_wait3A_461 : memref<1x2048x128xf32, #tpu.memory_space<hbm>> -> memref<2048x128xf32, #tpu.memory_space<hbm>>
        %dma_wait3A_463 = arith.constant 0 : i32
        %dma_wait3A_464 = arith.constant 0 : i32
        %dma_wait3A_465 = tpu.memref_slice %dma_wait3A_462[%dma_wait3A_463, %dma_wait3A_464] : memref<2048x128xf32, #tpu.memory_space<hbm>> -> memref<2048x128xf32, #tpu.memory_space<hbm>>
        tpu.wait_indirect_dma semaphore(%arg10 : memref<!tpu.dma_semaphore, #tpu.memory_space<semaphore_mem>>) src(%dma_wait3A_465 : memref<2048x128xf32, #tpu.memory_space<hbm>>) dst(%dma_wait3A_455 : memref<128x128xf32, #tpu.memory_space<vmem>>)
        %mul3A_466 = arith.constant 128 : i32
        %mul3A_467 = arith.muli %sub3A_339, %mul3A_466 : i32
        %add3A_468 = arith.addi %mul3A_32, %mul3A_467 : i32
        %dma_start3A_469 = arith.constant 1 : i32
        %dma_start3A_470 = arith.constant 0 : i32
        %dma_start3A_471 = arith.constant 0 : i32
        %dma_start3A_472 = tpu.memref_slice %arg8[%dma_start3A_469, %dma_start3A_470, %dma_start3A_471] : memref<3x128x256xf32, #tpu.memory_space<vmem>> -> memref<1x128x256xf32, #tpu.memory_space<vmem>>
        %dma_start3A_473 = tpu.memref_squeeze %dma_start3A_472 : memref<1x128x256xf32, #tpu.memory_space<vmem>> -> memref<128x256xf32, #tpu.memory_space<vmem>>
        %dma_start3A_474 = arith.constant 0 : i32
        %dma_start3A_475 = tpu.memref_slice %arg5[%select_n3A, %add3A_468, %dma_start3A_474] : memref<16x4096x256xf32, #tpu.memory_space<hbm>> -> memref<1x128x256xf32, #tpu.memory_space<hbm>>
        %dma_start3A_476 = tpu.memref_squeeze %dma_start3A_475 : memref<1x128x256xf32, #tpu.memory_space<hbm>> -> memref<128x256xf32, #tpu.memory_space<hbm>>
        %dma_start3A_477 = arith.constant 0 : i32
        %dma_start3A_478 = tpu.memref_slice %arg5[%select_n3A, %add3A_468, %dma_start3A_477] : memref<16x4096x256xf32, #tpu.memory_space<hbm>> -> memref<1x128x256xf32, #tpu.memory_space<hbm>>
        %dma_start3A_479 = tpu.memref_squeeze %dma_start3A_478 : memref<1x128x256xf32, #tpu.memory_space<hbm>> -> memref<128x256xf32, #tpu.memory_space<hbm>>
        %dma_start3A_480 = arith.constant 0 : i32
        %dma_start3A_481 = arith.constant 0 : i32
        %dma_start3A_482 = tpu.memref_slice %arg8[%dma_start3A_469, %dma_start3A_480, %dma_start3A_481] : memref<3x128x256xf32, #tpu.memory_space<vmem>> -> memref<1x128x256xf32, #tpu.memory_space<vmem>>
        %dma_start3A_483 = tpu.memref_squeeze %dma_start3A_482 : memref<1x128x256xf32, #tpu.memory_space<vmem>> -> memref<128x256xf32, #tpu.memory_space<vmem>>
        tpu.enqueue_dma source(%dma_start3A_483 : memref<128x256xf32, #tpu.memory_space<vmem>>) target(%dma_start3A_479 : memref<128x256xf32, #tpu.memory_space<hbm>>) target_semaphore(%arg13 : memref<!tpu.dma_semaphore, #tpu.memory_space<semaphore_mem>>)
      } else {
      }
      %mul3A_344 = arith.constant 3 : i32
      %mul3A_345 = arith.muli %mul3A_344, %scan3A_301 : i32
      %add3A_346 = arith.constant 1 : i32
      %add3A_347 = arith.addi %mul3A_345, %add3A_346 : i32
      %gt3A_348 = arith.constant 0 : i32
      %gt3A_349 = arith.cmpi sgt, %scan3A_301, %gt3A_348 : i32
      %convert_element_type3A_350 = arith.extui %gt3A_349 : i1 to i32
      %cond3A_351 = arith.constant 0 : i32
      %cond3A_352 = arith.cmpi ne, %convert_element_type3A_350, %cond3A_351 : i32
      scf.if %cond3A_352 {
        %sub3A_436 = arith.constant 3 : i32
        %sub3A_437 = arith.subi %add3A_347, %sub3A_436 : i32
        %mul3A_438 = arith.constant 128 : i32
        %mul3A_439 = arith.muli %sub3A_437, %mul3A_438 : i32
        %add3A_440 = arith.addi %mul3A_32, %mul3A_439 : i32
        %dma_wait3A_441 = arith.constant 1 : i32
        %dma_wait3A_442 = arith.constant 0 : i32
        %dma_wait3A_443 = arith.constant 0 : i32
        %dma_wait3A_444 = tpu.memref_slice %arg8[%dma_wait3A_441, %dma_wait3A_442, %dma_wait3A_443] : memref<3x128x256xf32, #tpu.memory_space<vmem>> -> memref<1x128x256xf32, #tpu.memory_space<vmem>>
        %dma_wait3A_445 = tpu.memref_squeeze %dma_wait3A_444 : memref<1x128x256xf32, #tpu.memory_space<vmem>> -> memref<128x256xf32, #tpu.memory_space<vmem>>
        %dma_wait3A_446 = arith.constant 0 : i32
        %dma_wait3A_447 = tpu.memref_slice %arg5[%select_n3A, %add3A_440, %dma_wait3A_446] : memref<16x4096x256xf32, #tpu.memory_space<hbm>> -> memref<1x128x256xf32, #tpu.memory_space<hbm>>
        %dma_wait3A_448 = tpu.memref_squeeze %dma_wait3A_447 : memref<1x128x256xf32, #tpu.memory_space<hbm>> -> memref<128x256xf32, #tpu.memory_space<hbm>>
        %dma_wait3A_449 = arith.constant 0 : i32
        %dma_wait3A_450 = tpu.memref_slice %arg5[%select_n3A, %add3A_440, %dma_wait3A_449] : memref<16x4096x256xf32, #tpu.memory_space<hbm>> -> memref<1x128x256xf32, #tpu.memory_space<hbm>>
        %dma_wait3A_451 = tpu.memref_squeeze %dma_wait3A_450 : memref<1x128x256xf32, #tpu.memory_space<hbm>> -> memref<128x256xf32, #tpu.memory_space<hbm>>
        %dma_wait3A_452 = arith.constant 0 : i32
        %dma_wait3A_453 = arith.constant 0 : i32
        %dma_wait3A_454 = tpu.memref_slice %arg8[%dma_wait3A_441, %dma_wait3A_452, %dma_wait3A_453] : memref<3x128x256xf32, #tpu.memory_space<vmem>> -> memref<1x128x256xf32, #tpu.memory_space<vmem>>
        %dma_wait3A_455 = tpu.memref_squeeze %dma_wait3A_454 : memref<1x128x256xf32, #tpu.memory_space<vmem>> -> memref<128x256xf32, #tpu.memory_space<vmem>>
        tpu.wait_dma2 semaphore(%arg13 : memref<!tpu.dma_semaphore, #tpu.memory_space<semaphore_mem>>) src(%dma_wait3A_455 : memref<128x256xf32, #tpu.memory_space<vmem>>) dst(%dma_wait3A_451 : memref<128x256xf32, #tpu.memory_space<hbm>>)
      } else {
      }
      %dma_start3A_353 = arith.constant 1 : i32
      %dma_start3A_354 = arith.constant 0 : i32
      %dma_start3A_355 = arith.constant 0 : i32
      %dma_start3A_356 = tpu.memref_slice %arg8[%dma_start3A_353, %dma_start3A_354, %dma_start3A_355] : memref<3x128x256xf32, #tpu.memory_space<vmem>> -> memref<1x128x128xf32, #tpu.memory_space<vmem>>
      %dma_start3A_357 = tpu.memref_squeeze %dma_start3A_356 : memref<1x128x128xf32, #tpu.memory_space<vmem>> -> memref<128x128xf32, #tpu.memory_space<vmem>>
      %dma_start3A_358 = arith.constant 0 : i32
      %dma_start3A_359 = tpu.memref_slice %arg6[%add3A_347, %dma_start3A_358] : memref<16x128xi32, #tpu.memory_space<vmem>> -> memref<1x128xi32, #tpu.memory_space<vmem>>
      %dma_start3A_360 = tpu.memref_squeeze %dma_start3A_359 : memref<1x128xi32, #tpu.memory_space<vmem>> -> memref<128xi32, #tpu.memory_space<vmem>>
      %dma_start3A_361 = arith.constant 0 : i32
      %dma_start3A_362 = arith.constant 0 : i32
      %dma_start3A_363 = tpu.memref_slice %arg2[%select_n3A, %dma_start3A_361, %dma_start3A_362] : memref<16x2048x256xf32, #tpu.memory_space<hbm>> -> memref<1x2048x128xf32, #tpu.memory_space<hbm>>
      %dma_start3A_364 = tpu.memref_squeeze %dma_start3A_363 : memref<1x2048x128xf32, #tpu.memory_space<hbm>> -> memref<2048x128xf32, #tpu.memory_space<hbm>>
      %dma_start3A_365 = arith.constant 0 : i32
      %dma_start3A_366 = arith.constant 0 : i32
      %dma_start3A_367 = tpu.memref_slice %dma_start3A_364[%dma_start3A_365, %dma_start3A_366] : memref<2048x128xf32, #tpu.memory_space<hbm>> -> memref<2048x128xf32, #tpu.memory_space<hbm>>
      tpu.enqueue_indirect_dma source(%dma_start3A_367 : memref<2048x128xf32, #tpu.memory_space<hbm>>) target(%dma_start3A_357 : memref<128x128xf32, #tpu.memory_space<vmem>>) offsets(%dma_start3A_360 : memref<128xi32, #tpu.memory_space<vmem>>) semaphore(%arg10 : memref<!tpu.dma_semaphore, #tpu.memory_space<semaphore_mem>>)
      %dma_start3A_368 = arith.constant 1 : i32
      %dma_start3A_369 = arith.constant 0 : i32
      %dma_start3A_370 = arith.constant 128 : i32
      %dma_start3A_371 = tpu.memref_slice %arg8[%dma_start3A_368, %dma_start3A_369, %dma_start3A_370] : memref<3x128x256xf32, #tpu.memory_space<vmem>> -> memref<1x128x128xf32, #tpu.memory_space<vmem>>
      %dma_start3A_372 = tpu.memref_squeeze %dma_start3A_371 : memref<1x128x128xf32, #tpu.memory_space<vmem>> -> memref<128x128xf32, #tpu.memory_space<vmem>>
      %dma_start3A_373 = arith.constant 0 : i32
      %dma_start3A_374 = tpu.memref_slice %arg7[%add3A_347, %dma_start3A_373] : memref<16x128xi32, #tpu.memory_space<vmem>> -> memref<1x128xi32, #tpu.memory_space<vmem>>
      %dma_start3A_375 = tpu.memref_squeeze %dma_start3A_374 : memref<1x128xi32, #tpu.memory_space<vmem>> -> memref<128xi32, #tpu.memory_space<vmem>>
      %dma_start3A_376 = arith.constant 0 : i32
      %dma_start3A_377 = arith.constant 128 : i32
      %dma_start3A_378 = tpu.memref_slice %arg2[%select_n3A, %dma_start3A_376, %dma_start3A_377] : memref<16x2048x256xf32, #tpu.memory_space<hbm>> -> memref<1x2048x128xf32, #tpu.memory_space<hbm>>
      %dma_start3A_379 = tpu.memref_squeeze %dma_start3A_378 : memref<1x2048x128xf32, #tpu.memory_space<hbm>> -> memref<2048x128xf32, #tpu.memory_space<hbm>>
      %dma_start3A_380 = arith.constant 0 : i32
      %dma_start3A_381 = arith.constant 0 : i32
      %dma_start3A_382 = tpu.memref_slice %dma_start3A_379[%dma_start3A_380, %dma_start3A_381] : memref<2048x128xf32, #tpu.memory_space<hbm>> -> memref<2048x128xf32, #tpu.memory_space<hbm>>
      tpu.enqueue_indirect_dma source(%dma_start3A_382 : memref<2048x128xf32, #tpu.memory_space<hbm>>) target(%dma_start3A_372 : memref<128x128xf32, #tpu.memory_space<vmem>>) offsets(%dma_start3A_375 : memref<128xi32, #tpu.memory_space<vmem>>) semaphore(%arg10 : memref<!tpu.dma_semaphore, #tpu.memory_space<semaphore_mem>>)
      %sub3A_383 = arith.constant 2 : i32
      %sub3A_384 = arith.subi %add3A_347, %sub3A_383 : i32
      %ge3A_385 = arith.constant 0 : i32
      %ge3A_386 = arith.cmpi sge, %sub3A_384, %ge3A_385 : i32
      %convert_element_type3A_387 = arith.extui %ge3A_386 : i1 to i32
      %cond3A_388 = arith.constant 0 : i32
      %cond3A_389 = arith.cmpi ne, %convert_element_type3A_387, %cond3A_388 : i32
      scf.if %cond3A_389 {
        %dma_wait3A_436 = arith.constant 2 : i32
        %dma_wait3A_437 = arith.constant 0 : i32
        %dma_wait3A_438 = arith.constant 0 : i32
        %dma_wait3A_439 = tpu.memref_slice %arg8[%dma_wait3A_436, %dma_wait3A_437, %dma_wait3A_438] : memref<3x128x256xf32, #tpu.memory_space<vmem>> -> memref<1x128x128xf32, #tpu.memory_space<vmem>>
        %dma_wait3A_440 = tpu.memref_squeeze %dma_wait3A_439 : memref<1x128x128xf32, #tpu.memory_space<vmem>> -> memref<128x128xf32, #tpu.memory_space<vmem>>
        %dma_wait3A_441 = arith.constant 0 : i32
        %dma_wait3A_442 = tpu.memref_slice %arg6[%sub3A_384, %dma_wait3A_441] : memref<16x128xi32, #tpu.memory_space<vmem>> -> memref<1x128xi32, #tpu.memory_space<vmem>>
        %dma_wait3A_443 = tpu.memref_squeeze %dma_wait3A_442 : memref<1x128xi32, #tpu.memory_space<vmem>> -> memref<128xi32, #tpu.memory_space<vmem>>
        %dma_wait3A_444 = arith.constant 0 : i32
        %dma_wait3A_445 = arith.constant 0 : i32
        %dma_wait3A_446 = tpu.memref_slice %arg2[%select_n3A, %dma_wait3A_444, %dma_wait3A_445] : memref<16x2048x256xf32, #tpu.memory_space<hbm>> -> memref<1x2048x128xf32, #tpu.memory_space<hbm>>
        %dma_wait3A_447 = tpu.memref_squeeze %dma_wait3A_446 : memref<1x2048x128xf32, #tpu.memory_space<hbm>> -> memref<2048x128xf32, #tpu.memory_space<hbm>>
        %dma_wait3A_448 = arith.constant 0 : i32
        %dma_wait3A_449 = arith.constant 0 : i32
        %dma_wait3A_450 = tpu.memref_slice %dma_wait3A_447[%dma_wait3A_448, %dma_wait3A_449] : memref<2048x128xf32, #tpu.memory_space<hbm>> -> memref<2048x128xf32, #tpu.memory_space<hbm>>
        tpu.wait_indirect_dma semaphore(%arg11 : memref<!tpu.dma_semaphore, #tpu.memory_space<semaphore_mem>>) src(%dma_wait3A_450 : memref<2048x128xf32, #tpu.memory_space<hbm>>) dst(%dma_wait3A_440 : memref<128x128xf32, #tpu.memory_space<vmem>>)
        %dma_wait3A_451 = arith.constant 2 : i32
        %dma_wait3A_452 = arith.constant 0 : i32
        %dma_wait3A_453 = arith.constant 128 : i32
        %dma_wait3A_454 = tpu.memref_slice %arg8[%dma_wait3A_451, %dma_wait3A_452, %dma_wait3A_453] : memref<3x128x256xf32, #tpu.memory_space<vmem>> -> memref<1x128x128xf32, #tpu.memory_space<vmem>>
        %dma_wait3A_455 = tpu.memref_squeeze %dma_wait3A_454 : memref<1x128x128xf32, #tpu.memory_space<vmem>> -> memref<128x128xf32, #tpu.memory_space<vmem>>
        %dma_wait3A_456 = arith.constant 0 : i32
        %dma_wait3A_457 = tpu.memref_slice %arg7[%sub3A_384, %dma_wait3A_456] : memref<16x128xi32, #tpu.memory_space<vmem>> -> memref<1x128xi32, #tpu.memory_space<vmem>>
        %dma_wait3A_458 = tpu.memref_squeeze %dma_wait3A_457 : memref<1x128xi32, #tpu.memory_space<vmem>> -> memref<128xi32, #tpu.memory_space<vmem>>
        %dma_wait3A_459 = arith.constant 0 : i32
        %dma_wait3A_460 = arith.constant 128 : i32
        %dma_wait3A_461 = tpu.memref_slice %arg2[%select_n3A, %dma_wait3A_459, %dma_wait3A_460] : memref<16x2048x256xf32, #tpu.memory_space<hbm>> -> memref<1x2048x128xf32, #tpu.memory_space<hbm>>
        %dma_wait3A_462 = tpu.memref_squeeze %dma_wait3A_461 : memref<1x2048x128xf32, #tpu.memory_space<hbm>> -> memref<2048x128xf32, #tpu.memory_space<hbm>>
        %dma_wait3A_463 = arith.constant 0 : i32
        %dma_wait3A_464 = arith.constant 0 : i32
        %dma_wait3A_465 = tpu.memref_slice %dma_wait3A_462[%dma_wait3A_463, %dma_wait3A_464] : memref<2048x128xf32, #tpu.memory_space<hbm>> -> memref<2048x128xf32, #tpu.memory_space<hbm>>
        tpu.wait_indirect_dma semaphore(%arg11 : memref<!tpu.dma_semaphore, #tpu.memory_space<semaphore_mem>>) src(%dma_wait3A_465 : memref<2048x128xf32, #tpu.memory_space<hbm>>) dst(%dma_wait3A_455 : memref<128x128xf32, #tpu.memory_space<vmem>>)
        %mul3A_466 = arith.constant 128 : i32
        %mul3A_467 = arith.muli %sub3A_384, %mul3A_466 : i32
        %add3A_468 = arith.addi %mul3A_32, %mul3A_467 : i32
        %dma_start3A_469 = arith.constant 2 : i32
        %dma_start3A_470 = arith.constant 0 : i32
        %dma_start3A_471 = arith.constant 0 : i32
        %dma_start3A_472 = tpu.memref_slice %arg8[%dma_start3A_469, %dma_start3A_470, %dma_start3A_471] : memref<3x128x256xf32, #tpu.memory_space<vmem>> -> memref<1x128x256xf32, #tpu.memory_space<vmem>>
        %dma_start3A_473 = tpu.memref_squeeze %dma_start3A_472 : memref<1x128x256xf32, #tpu.memory_space<vmem>> -> memref<128x256xf32, #tpu.memory_space<vmem>>
        %dma_start3A_474 = arith.constant 0 : i32
        %dma_start3A_475 = tpu.memref_slice %arg5[%select_n3A, %add3A_468, %dma_start3A_474] : memref<16x4096x256xf32, #tpu.memory_space<hbm>> -> memref<1x128x256xf32, #tpu.memory_space<hbm>>
        %dma_start3A_476 = tpu.memref_squeeze %dma_start3A_475 : memref<1x128x256xf32, #tpu.memory_space<hbm>> -> memref<128x256xf32, #tpu.memory_space<hbm>>
        %dma_start3A_477 = arith.constant 0 : i32
        %dma_start3A_478 = tpu.memref_slice %arg5[%select_n3A, %add3A_468, %dma_start3A_477] : memref<16x4096x256xf32, #tpu.memory_space<hbm>> -> memref<1x128x256xf32, #tpu.memory_space<hbm>>
        %dma_start3A_479 = tpu.memref_squeeze %dma_start3A_478 : memref<1x128x256xf32, #tpu.memory_space<hbm>> -> memref<128x256xf32, #tpu.memory_space<hbm>>
        %dma_start3A_480 = arith.constant 0 : i32
        %dma_start3A_481 = arith.constant 0 : i32
        %dma_start3A_482 = tpu.memref_slice %arg8[%dma_start3A_469, %dma_start3A_480, %dma_start3A_481] : memref<3x128x256xf32, #tpu.memory_space<vmem>> -> memref<1x128x256xf32, #tpu.memory_space<vmem>>
        %dma_start3A_483 = tpu.memref_squeeze %dma_start3A_482 : memref<1x128x256xf32, #tpu.memory_space<vmem>> -> memref<128x256xf32, #tpu.memory_space<vmem>>
        tpu.enqueue_dma source(%dma_start3A_483 : memref<128x256xf32, #tpu.memory_space<vmem>>) target(%dma_start3A_479 : memref<128x256xf32, #tpu.memory_space<hbm>>) target_semaphore(%arg14 : memref<!tpu.dma_semaphore, #tpu.memory_space<semaphore_mem>>)
      } else {
      }
      %mul3A_390 = arith.constant 3 : i32
      %mul3A_391 = arith.muli %mul3A_390, %scan3A_301 : i32
      %add3A_392 = arith.constant 2 : i32
      %add3A_393 = arith.addi %mul3A_391, %add3A_392 : i32
      %gt3A_394 = arith.constant 0 : i32
      %gt3A_395 = arith.cmpi sgt, %scan3A_301, %gt3A_394 : i32
      %convert_element_type3A_396 = arith.extui %gt3A_395 : i1 to i32
      %cond3A_397 = arith.constant 0 : i32
      %cond3A_398 = arith.cmpi ne, %convert_element_type3A_396, %cond3A_397 : i32
      scf.if %cond3A_398 {
        %sub3A_436 = arith.constant 3 : i32
        %sub3A_437 = arith.subi %add3A_393, %sub3A_436 : i32
        %mul3A_438 = arith.constant 128 : i32
        %mul3A_439 = arith.muli %sub3A_437, %mul3A_438 : i32
        %add3A_440 = arith.addi %mul3A_32, %mul3A_439 : i32
        %dma_wait3A_441 = arith.constant 2 : i32
        %dma_wait3A_442 = arith.constant 0 : i32
        %dma_wait3A_443 = arith.constant 0 : i32
        %dma_wait3A_444 = tpu.memref_slice %arg8[%dma_wait3A_441, %dma_wait3A_442, %dma_wait3A_443] : memref<3x128x256xf32, #tpu.memory_space<vmem>> -> memref<1x128x256xf32, #tpu.memory_space<vmem>>
        %dma_wait3A_445 = tpu.memref_squeeze %dma_wait3A_444 : memref<1x128x256xf32, #tpu.memory_space<vmem>> -> memref<128x256xf32, #tpu.memory_space<vmem>>
        %dma_wait3A_446 = arith.constant 0 : i32
        %dma_wait3A_447 = tpu.memref_slice %arg5[%select_n3A, %add3A_440, %dma_wait3A_446] : memref<16x4096x256xf32, #tpu.memory_space<hbm>> -> memref<1x128x256xf32, #tpu.memory_space<hbm>>
        %dma_wait3A_448 = tpu.memref_squeeze %dma_wait3A_447 : memref<1x128x256xf32, #tpu.memory_space<hbm>> -> memref<128x256xf32, #tpu.memory_space<hbm>>
        %dma_wait3A_449 = arith.constant 0 : i32
        %dma_wait3A_450 = tpu.memref_slice %arg5[%select_n3A, %add3A_440, %dma_wait3A_449] : memref<16x4096x256xf32, #tpu.memory_space<hbm>> -> memref<1x128x256xf32, #tpu.memory_space<hbm>>
        %dma_wait3A_451 = tpu.memref_squeeze %dma_wait3A_450 : memref<1x128x256xf32, #tpu.memory_space<hbm>> -> memref<128x256xf32, #tpu.memory_space<hbm>>
        %dma_wait3A_452 = arith.constant 0 : i32
        %dma_wait3A_453 = arith.constant 0 : i32
        %dma_wait3A_454 = tpu.memref_slice %arg8[%dma_wait3A_441, %dma_wait3A_452, %dma_wait3A_453] : memref<3x128x256xf32, #tpu.memory_space<vmem>> -> memref<1x128x256xf32, #tpu.memory_space<vmem>>
        %dma_wait3A_455 = tpu.memref_squeeze %dma_wait3A_454 : memref<1x128x256xf32, #tpu.memory_space<vmem>> -> memref<128x256xf32, #tpu.memory_space<vmem>>
        tpu.wait_dma2 semaphore(%arg14 : memref<!tpu.dma_semaphore, #tpu.memory_space<semaphore_mem>>) src(%dma_wait3A_455 : memref<128x256xf32, #tpu.memory_space<vmem>>) dst(%dma_wait3A_451 : memref<128x256xf32, #tpu.memory_space<hbm>>)
      } else {
      }
      %dma_start3A_399 = arith.constant 2 : i32
      %dma_start3A_400 = arith.constant 0 : i32
      %dma_start3A_401 = arith.constant 0 : i32
      %dma_start3A_402 = tpu.memref_slice %arg8[%dma_start3A_399, %dma_start3A_400, %dma_start3A_401] : memref<3x128x256xf32, #tpu.memory_space<vmem>> -> memref<1x128x128xf32, #tpu.memory_space<vmem>>
      %dma_start3A_403 = tpu.memref_squeeze %dma_start3A_402 : memref<1x128x128xf32, #tpu.memory_space<vmem>> -> memref<128x128xf32, #tpu.memory_space<vmem>>
      %dma_start3A_404 = arith.constant 0 : i32
      %dma_start3A_405 = tpu.memref_slice %arg6[%add3A_393, %dma_start3A_404] : memref<16x128xi32, #tpu.memory_space<vmem>> -> memref<1x128xi32, #tpu.memory_space<vmem>>
      %dma_start3A_406 = tpu.memref_squeeze %dma_start3A_405 : memref<1x128xi32, #tpu.memory_space<vmem>> -> memref<128xi32, #tpu.memory_space<vmem>>
      %dma_start3A_407 = arith.constant 0 : i32
      %dma_start3A_408 = arith.constant 0 : i32
      %dma_start3A_409 = tpu.memref_slice %arg2[%select_n3A, %dma_start3A_407, %dma_start3A_408] : memref<16x2048x256xf32, #tpu.memory_space<hbm>> -> memref<1x2048x128xf32, #tpu.memory_space<hbm>>
      %dma_start3A_410 = tpu.memref_squeeze %dma_start3A_409 : memref<1x2048x128xf32, #tpu.memory_space<hbm>> -> memref<2048x128xf32, #tpu.memory_space<hbm>>
      %dma_start3A_411 = arith.constant 0 : i32
      %dma_start3A_412 = arith.constant 0 : i32
      %dma_start3A_413 = tpu.memref_slice %dma_start3A_410[%dma_start3A_411, %dma_start3A_412] : memref<2048x128xf32, #tpu.memory_space<hbm>> -> memref<2048x128xf32, #tpu.memory_space<hbm>>
      tpu.enqueue_indirect_dma source(%dma_start3A_413 : memref<2048x128xf32, #tpu.memory_space<hbm>>) target(%dma_start3A_403 : memref<128x128xf32, #tpu.memory_space<vmem>>) offsets(%dma_start3A_406 : memref<128xi32, #tpu.memory_space<vmem>>) semaphore(%arg11 : memref<!tpu.dma_semaphore, #tpu.memory_space<semaphore_mem>>)
      %dma_start3A_414 = arith.constant 2 : i32
      %dma_start3A_415 = arith.constant 0 : i32
      %dma_start3A_416 = arith.constant 128 : i32
      %dma_start3A_417 = tpu.memref_slice %arg8[%dma_start3A_414, %dma_start3A_415, %dma_start3A_416] : memref<3x128x256xf32, #tpu.memory_space<vmem>> -> memref<1x128x128xf32, #tpu.memory_space<vmem>>
      %dma_start3A_418 = tpu.memref_squeeze %dma_start3A_417 : memref<1x128x128xf32, #tpu.memory_space<vmem>> -> memref<128x128xf32, #tpu.memory_space<vmem>>
      %dma_start3A_419 = arith.constant 0 : i32
      %dma_start3A_420 = tpu.memref_slice %arg7[%add3A_393, %dma_start3A_419] : memref<16x128xi32, #tpu.memory_space<vmem>> -> memref<1x128xi32, #tpu.memory_space<vmem>>
      %dma_start3A_421 = tpu.memref_squeeze %dma_start3A_420 : memref<1x128xi32, #tpu.memory_space<vmem>> -> memref<128xi32, #tpu.memory_space<vmem>>
      %dma_start3A_422 = arith.constant 0 : i32
      %dma_start3A_423 = arith.constant 128 : i32
      %dma_start3A_424 = tpu.memref_slice %arg2[%select_n3A, %dma_start3A_422, %dma_start3A_423] : memref<16x2048x256xf32, #tpu.memory_space<hbm>> -> memref<1x2048x128xf32, #tpu.memory_space<hbm>>
      %dma_start3A_425 = tpu.memref_squeeze %dma_start3A_424 : memref<1x2048x128xf32, #tpu.memory_space<hbm>> -> memref<2048x128xf32, #tpu.memory_space<hbm>>
      %dma_start3A_426 = arith.constant 0 : i32
      %dma_start3A_427 = arith.constant 0 : i32
      %dma_start3A_428 = tpu.memref_slice %dma_start3A_425[%dma_start3A_426, %dma_start3A_427] : memref<2048x128xf32, #tpu.memory_space<hbm>> -> memref<2048x128xf32, #tpu.memory_space<hbm>>
      tpu.enqueue_indirect_dma source(%dma_start3A_428 : memref<2048x128xf32, #tpu.memory_space<hbm>>) target(%dma_start3A_418 : memref<128x128xf32, #tpu.memory_space<vmem>>) offsets(%dma_start3A_421 : memref<128xi32, #tpu.memory_space<vmem>>) semaphore(%arg11 : memref<!tpu.dma_semaphore, #tpu.memory_space<semaphore_mem>>)
      %sub3A_429 = arith.constant 2 : i32
      %sub3A_430 = arith.subi %add3A_393, %sub3A_429 : i32
      %ge3A_431 = arith.constant 0 : i32
      %ge3A_432 = arith.cmpi sge, %sub3A_430, %ge3A_431 : i32
      %convert_element_type3A_433 = arith.extui %ge3A_432 : i1 to i32
      %cond3A_434 = arith.constant 0 : i32
      %cond3A_435 = arith.cmpi ne, %convert_element_type3A_433, %cond3A_434 : i32
      scf.if %cond3A_435 {
        %dma_wait3A_436 = arith.constant 0 : i32
        %dma_wait3A_437 = arith.constant 0 : i32
        %dma_wait3A_438 = arith.constant 0 : i32
        %dma_wait3A_439 = tpu.memref_slice %arg8[%dma_wait3A_436, %dma_wait3A_437, %dma_wait3A_438] : memref<3x128x256xf32, #tpu.memory_space<vmem>> -> memref<1x128x128xf32, #tpu.memory_space<vmem>>
        %dma_wait3A_440 = tpu.memref_squeeze %dma_wait3A_439 : memref<1x128x128xf32, #tpu.memory_space<vmem>> -> memref<128x128xf32, #tpu.memory_space<vmem>>
        %dma_wait3A_441 = arith.constant 0 : i32
        %dma_wait3A_442 = tpu.memref_slice %arg6[%sub3A_430, %dma_wait3A_441] : memref<16x128xi32, #tpu.memory_space<vmem>> -> memref<1x128xi32, #tpu.memory_space<vmem>>
        %dma_wait3A_443 = tpu.memref_squeeze %dma_wait3A_442 : memref<1x128xi32, #tpu.memory_space<vmem>> -> memref<128xi32, #tpu.memory_space<vmem>>
        %dma_wait3A_444 = arith.constant 0 : i32
        %dma_wait3A_445 = arith.constant 0 : i32
        %dma_wait3A_446 = tpu.memref_slice %arg2[%select_n3A, %dma_wait3A_444, %dma_wait3A_445] : memref<16x2048x256xf32, #tpu.memory_space<hbm>> -> memref<1x2048x128xf32, #tpu.memory_space<hbm>>
        %dma_wait3A_447 = tpu.memref_squeeze %dma_wait3A_446 : memref<1x2048x128xf32, #tpu.memory_space<hbm>> -> memref<2048x128xf32, #tpu.memory_space<hbm>>
        %dma_wait3A_448 = arith.constant 0 : i32
        %dma_wait3A_449 = arith.constant 0 : i32
        %dma_wait3A_450 = tpu.memref_slice %dma_wait3A_447[%dma_wait3A_448, %dma_wait3A_449] : memref<2048x128xf32, #tpu.memory_space<hbm>> -> memref<2048x128xf32, #tpu.memory_space<hbm>>
        tpu.wait_indirect_dma semaphore(%arg9 : memref<!tpu.dma_semaphore, #tpu.memory_space<semaphore_mem>>) src(%dma_wait3A_450 : memref<2048x128xf32, #tpu.memory_space<hbm>>) dst(%dma_wait3A_440 : memref<128x128xf32, #tpu.memory_space<vmem>>)
        %dma_wait3A_451 = arith.constant 0 : i32
        %dma_wait3A_452 = arith.constant 0 : i32
        %dma_wait3A_453 = arith.constant 128 : i32
        %dma_wait3A_454 = tpu.memref_slice %arg8[%dma_wait3A_451, %dma_wait3A_452, %dma_wait3A_453] : memref<3x128x256xf32, #tpu.memory_space<vmem>> -> memref<1x128x128xf32, #tpu.memory_space<vmem>>
        %dma_wait3A_455 = tpu.memref_squeeze %dma_wait3A_454 : memref<1x128x128xf32, #tpu.memory_space<vmem>> -> memref<128x128xf32, #tpu.memory_space<vmem>>
        %dma_wait3A_456 = arith.constant 0 : i32
        %dma_wait3A_457 = tpu.memref_slice %arg7[%sub3A_430, %dma_wait3A_456] : memref<16x128xi32, #tpu.memory_space<vmem>> -> memref<1x128xi32, #tpu.memory_space<vmem>>
        %dma_wait3A_458 = tpu.memref_squeeze %dma_wait3A_457 : memref<1x128xi32, #tpu.memory_space<vmem>> -> memref<128xi32, #tpu.memory_space<vmem>>
        %dma_wait3A_459 = arith.constant 0 : i32
        %dma_wait3A_460 = arith.constant 128 : i32
        %dma_wait3A_461 = tpu.memref_slice %arg2[%select_n3A, %dma_wait3A_459, %dma_wait3A_460] : memref<16x2048x256xf32, #tpu.memory_space<hbm>> -> memref<1x2048x128xf32, #tpu.memory_space<hbm>>
        %dma_wait3A_462 = tpu.memref_squeeze %dma_wait3A_461 : memref<1x2048x128xf32, #tpu.memory_space<hbm>> -> memref<2048x128xf32, #tpu.memory_space<hbm>>
        %dma_wait3A_463 = arith.constant 0 : i32
        %dma_wait3A_464 = arith.constant 0 : i32
        %dma_wait3A_465 = tpu.memref_slice %dma_wait3A_462[%dma_wait3A_463, %dma_wait3A_464] : memref<2048x128xf32, #tpu.memory_space<hbm>> -> memref<2048x128xf32, #tpu.memory_space<hbm>>
        tpu.wait_indirect_dma semaphore(%arg9 : memref<!tpu.dma_semaphore, #tpu.memory_space<semaphore_mem>>) src(%dma_wait3A_465 : memref<2048x128xf32, #tpu.memory_space<hbm>>) dst(%dma_wait3A_455 : memref<128x128xf32, #tpu.memory_space<vmem>>)
        %mul3A_466 = arith.constant 128 : i32
        %mul3A_467 = arith.muli %sub3A_430, %mul3A_466 : i32
        %add3A_468 = arith.addi %mul3A_32, %mul3A_467 : i32
        %dma_start3A_469 = arith.constant 0 : i32
        %dma_start3A_470 = arith.constant 0 : i32
        %dma_start3A_471 = arith.constant 0 : i32
        %dma_start3A_472 = tpu.memref_slice %arg8[%dma_start3A_469, %dma_start3A_470, %dma_start3A_471] : memref<3x128x256xf32, #tpu.memory_space<vmem>> -> memref<1x128x256xf32, #tpu.memory_space<vmem>>
        %dma_start3A_473 = tpu.memref_squeeze %dma_start3A_472 : memref<1x128x256xf32, #tpu.memory_space<vmem>> -> memref<128x256xf32, #tpu.memory_space<vmem>>
        %dma_start3A_474 = arith.constant 0 : i32
        %dma_start3A_475 = tpu.memref_slice %arg5[%select_n3A, %add3A_468, %dma_start3A_474] : memref<16x4096x256xf32, #tpu.memory_space<hbm>> -> memref<1x128x256xf32, #tpu.memory_space<hbm>>
        %dma_start3A_476 = tpu.memref_squeeze %dma_start3A_475 : memref<1x128x256xf32, #tpu.memory_space<hbm>> -> memref<128x256xf32, #tpu.memory_space<hbm>>
        %dma_start3A_477 = arith.constant 0 : i32
        %dma_start3A_478 = tpu.memref_slice %arg5[%select_n3A, %add3A_468, %dma_start3A_477] : memref<16x4096x256xf32, #tpu.memory_space<hbm>> -> memref<1x128x256xf32, #tpu.memory_space<hbm>>
        %dma_start3A_479 = tpu.memref_squeeze %dma_start3A_478 : memref<1x128x256xf32, #tpu.memory_space<hbm>> -> memref<128x256xf32, #tpu.memory_space<hbm>>
        %dma_start3A_480 = arith.constant 0 : i32
        %dma_start3A_481 = arith.constant 0 : i32
        %dma_start3A_482 = tpu.memref_slice %arg8[%dma_start3A_469, %dma_start3A_480, %dma_start3A_481] : memref<3x128x256xf32, #tpu.memory_space<vmem>> -> memref<1x128x256xf32, #tpu.memory_space<vmem>>
        %dma_start3A_483 = tpu.memref_squeeze %dma_start3A_482 : memref<1x128x256xf32, #tpu.memory_space<vmem>> -> memref<128x256xf32, #tpu.memory_space<vmem>>
        tpu.enqueue_dma source(%dma_start3A_483 : memref<128x256xf32, #tpu.memory_space<vmem>>) target(%dma_start3A_479 : memref<128x256xf32, #tpu.memory_space<hbm>>) target_semaphore(%arg12 : memref<!tpu.dma_semaphore, #tpu.memory_space<semaphore_mem>>)
      } else {
      }
    }
    %scan3A_55 = arith.constant 5 : i32
    %add3A_56 = arith.constant 1536 : i32
    %add3A_57 = arith.addi %mul3A_32, %add3A_56 : i32
    %dma_wait3A = arith.constant 0 : i32
    %dma_wait3A_58 = arith.constant 0 : i32
    %dma_wait3A_59 = arith.constant 0 : i32
    %dma_wait3A_60 = tpu.memref_slice %arg8[%dma_wait3A, %dma_wait3A_58, %dma_wait3A_59] : memref<3x128x256xf32, #tpu.memory_space<vmem>> -> memref<1x128x256xf32, #tpu.memory_space<vmem>>
    %dma_wait3A_61 = tpu.memref_squeeze %dma_wait3A_60 : memref<1x128x256xf32, #tpu.memory_space<vmem>> -> memref<128x256xf32, #tpu.memory_space<vmem>>
    %dma_wait3A_62 = arith.constant 0 : i32
    %dma_wait3A_63 = tpu.memref_slice %arg5[%select_n3A, %add3A_57, %dma_wait3A_62] : memref<16x4096x256xf32, #tpu.memory_space<hbm>> -> memref<1x128x256xf32, #tpu.memory_space<hbm>>
    %dma_wait3A_64 = tpu.memref_squeeze %dma_wait3A_63 : memref<1x128x256xf32, #tpu.memory_space<hbm>> -> memref<128x256xf32, #tpu.memory_space<hbm>>
    %dma_wait3A_65 = arith.constant 0 : i32
    %dma_wait3A_66 = tpu.memref_slice %arg5[%select_n3A, %add3A_57, %dma_wait3A_65] : memref<16x4096x256xf32, #tpu.memory_space<hbm>> -> memref<1x128x256xf32, #tpu.memory_space<hbm>>
    %dma_wait3A_67 = tpu.memref_squeeze %dma_wait3A_66 : memref<1x128x256xf32, #tpu.memory_space<hbm>> -> memref<128x256xf32, #tpu.memory_space<hbm>>
    %dma_wait3A_68 = arith.constant 0 : i32
    %dma_wait3A_69 = arith.constant 0 : i32
    %dma_wait3A_70 = tpu.memref_slice %arg8[%dma_wait3A, %dma_wait3A_68, %dma_wait3A_69] : memref<3x128x256xf32, #tpu.memory_space<vmem>> -> memref<1x128x256xf32, #tpu.memory_space<vmem>>
    %dma_wait3A_71 = tpu.memref_squeeze %dma_wait3A_70 : memref<1x128x256xf32, #tpu.memory_space<vmem>> -> memref<128x256xf32, #tpu.memory_space<vmem>>
    tpu.wait_dma2 semaphore(%arg12 : memref<!tpu.dma_semaphore, #tpu.memory_space<semaphore_mem>>) src(%dma_wait3A_71 : memref<128x256xf32, #tpu.memory_space<vmem>>) dst(%dma_wait3A_67 : memref<128x256xf32, #tpu.memory_space<hbm>>)
    %dma_start3A = arith.constant 15 : i32
    %dma_start3A_72 = arith.constant 0 : i32
    %dma_start3A_73 = arith.constant 0 : i32
    %dma_start3A_74 = arith.constant 0 : i32
    %dma_start3A_75 = tpu.memref_slice %arg8[%dma_start3A_72, %dma_start3A_73, %dma_start3A_74] : memref<3x128x256xf32, #tpu.memory_space<vmem>> -> memref<1x128x128xf32, #tpu.memory_space<vmem>>
    %dma_start3A_76 = tpu.memref_squeeze %dma_start3A_75 : memref<1x128x128xf32, #tpu.memory_space<vmem>> -> memref<128x128xf32, #tpu.memory_space<vmem>>
    %dma_start3A_77 = arith.constant 0 : i32
    %dma_start3A_78 = tpu.memref_slice %arg6[%dma_start3A, %dma_start3A_77] : memref<16x128xi32, #tpu.memory_space<vmem>> -> memref<1x128xi32, #tpu.memory_space<vmem>>
    %dma_start3A_79 = tpu.memref_squeeze %dma_start3A_78 : memref<1x128xi32, #tpu.memory_space<vmem>> -> memref<128xi32, #tpu.memory_space<vmem>>
    %dma_start3A_80 = arith.constant 0 : i32
    %dma_start3A_81 = arith.constant 0 : i32
    %dma_start3A_82 = tpu.memref_slice %arg2[%select_n3A, %dma_start3A_80, %dma_start3A_81] : memref<16x2048x256xf32, #tpu.memory_space<hbm>> -> memref<1x2048x128xf32, #tpu.memory_space<hbm>>
    %dma_start3A_83 = tpu.memref_squeeze %dma_start3A_82 : memref<1x2048x128xf32, #tpu.memory_space<hbm>> -> memref<2048x128xf32, #tpu.memory_space<hbm>>
    %dma_start3A_84 = arith.constant 0 : i32
    %dma_start3A_85 = arith.constant 0 : i32
    %dma_start3A_86 = tpu.memref_slice %dma_start3A_83[%dma_start3A_84, %dma_start3A_85] : memref<2048x128xf32, #tpu.memory_space<hbm>> -> memref<2048x128xf32, #tpu.memory_space<hbm>>
    tpu.enqueue_indirect_dma source(%dma_start3A_86 : memref<2048x128xf32, #tpu.memory_space<hbm>>) target(%dma_start3A_76 : memref<128x128xf32, #tpu.memory_space<vmem>>) offsets(%dma_start3A_79 : memref<128xi32, #tpu.memory_space<vmem>>) semaphore(%arg9 : memref<!tpu.dma_semaphore, #tpu.memory_space<semaphore_mem>>)
    %dma_start3A_87 = arith.constant 15 : i32
    %dma_start3A_88 = arith.constant 0 : i32
    %dma_start3A_89 = arith.constant 0 : i32
    %dma_start3A_90 = arith.constant 128 : i32
    %dma_start3A_91 = tpu.memref_slice %arg8[%dma_start3A_88, %dma_start3A_89, %dma_start3A_90] : memref<3x128x256xf32, #tpu.memory_space<vmem>> -> memref<1x128x128xf32, #tpu.memory_space<vmem>>
    %dma_start3A_92 = tpu.memref_squeeze %dma_start3A_91 : memref<1x128x128xf32, #tpu.memory_space<vmem>> -> memref<128x128xf32, #tpu.memory_space<vmem>>
    %dma_start3A_93 = arith.constant 0 : i32
    %dma_start3A_94 = tpu.memref_slice %arg7[%dma_start3A_87, %dma_start3A_93] : memref<16x128xi32, #tpu.memory_space<vmem>> -> memref<1x128xi32, #tpu.memory_space<vmem>>
    %dma_start3A_95 = tpu.memref_squeeze %dma_start3A_94 : memref<1x128xi32, #tpu.memory_space<vmem>> -> memref<128xi32, #tpu.memory_space<vmem>>
    %dma_start3A_96 = arith.constant 0 : i32
    %dma_start3A_97 = arith.constant 128 : i32
    %dma_start3A_98 = tpu.memref_slice %arg2[%select_n3A, %dma_start3A_96, %dma_start3A_97] : memref<16x2048x256xf32, #tpu.memory_space<hbm>> -> memref<1x2048x128xf32, #tpu.memory_space<hbm>>
    %dma_start3A_99 = tpu.memref_squeeze %dma_start3A_98 : memref<1x2048x128xf32, #tpu.memory_space<hbm>> -> memref<2048x128xf32, #tpu.memory_space<hbm>>
    %dma_start3A_100 = arith.constant 0 : i32
    %dma_start3A_101 = arith.constant 0 : i32
    %dma_start3A_102 = tpu.memref_slice %dma_start3A_99[%dma_start3A_100, %dma_start3A_101] : memref<2048x128xf32, #tpu.memory_space<hbm>> -> memref<2048x128xf32, #tpu.memory_space<hbm>>
    tpu.enqueue_indirect_dma source(%dma_start3A_102 : memref<2048x128xf32, #tpu.memory_space<hbm>>) target(%dma_start3A_92 : memref<128x128xf32, #tpu.memory_space<vmem>>) offsets(%dma_start3A_95 : memref<128xi32, #tpu.memory_space<vmem>>) semaphore(%arg9 : memref<!tpu.dma_semaphore, #tpu.memory_space<semaphore_mem>>)
    %dma_wait3A_103 = arith.constant 13 : i32
    %dma_wait3A_104 = arith.constant 1 : i32
    %dma_wait3A_105 = arith.constant 0 : i32
    %dma_wait3A_106 = arith.constant 0 : i32
    %dma_wait3A_107 = tpu.memref_slice %arg8[%dma_wait3A_104, %dma_wait3A_105, %dma_wait3A_106] : memref<3x128x256xf32, #tpu.memory_space<vmem>> -> memref<1x128x128xf32, #tpu.memory_space<vmem>>
    %dma_wait3A_108 = tpu.memref_squeeze %dma_wait3A_107 : memref<1x128x128xf32, #tpu.memory_space<vmem>> -> memref<128x128xf32, #tpu.memory_space<vmem>>
    %dma_wait3A_109 = arith.constant 0 : i32
    %dma_wait3A_110 = tpu.memref_slice %arg6[%dma_wait3A_103, %dma_wait3A_109] : memref<16x128xi32, #tpu.memory_space<vmem>> -> memref<1x128xi32, #tpu.memory_space<vmem>>
    %dma_wait3A_111 = tpu.memref_squeeze %dma_wait3A_110 : memref<1x128xi32, #tpu.memory_space<vmem>> -> memref<128xi32, #tpu.memory_space<vmem>>
    %dma_wait3A_112 = arith.constant 0 : i32
    %dma_wait3A_113 = arith.constant 0 : i32
    %dma_wait3A_114 = tpu.memref_slice %arg2[%select_n3A, %dma_wait3A_112, %dma_wait3A_113] : memref<16x2048x256xf32, #tpu.memory_space<hbm>> -> memref<1x2048x128xf32, #tpu.memory_space<hbm>>
    %dma_wait3A_115 = tpu.memref_squeeze %dma_wait3A_114 : memref<1x2048x128xf32, #tpu.memory_space<hbm>> -> memref<2048x128xf32, #tpu.memory_space<hbm>>
    %dma_wait3A_116 = arith.constant 0 : i32
    %dma_wait3A_117 = arith.constant 0 : i32
    %dma_wait3A_118 = tpu.memref_slice %dma_wait3A_115[%dma_wait3A_116, %dma_wait3A_117] : memref<2048x128xf32, #tpu.memory_space<hbm>> -> memref<2048x128xf32, #tpu.memory_space<hbm>>
    tpu.wait_indirect_dma semaphore(%arg10 : memref<!tpu.dma_semaphore, #tpu.memory_space<semaphore_mem>>) src(%dma_wait3A_118 : memref<2048x128xf32, #tpu.memory_space<hbm>>) dst(%dma_wait3A_108 : memref<128x128xf32, #tpu.memory_space<vmem>>)
    %dma_wait3A_119 = arith.constant 13 : i32
    %dma_wait3A_120 = arith.constant 1 : i32
    %dma_wait3A_121 = arith.constant 0 : i32
    %dma_wait3A_122 = arith.constant 128 : i32
    %dma_wait3A_123 = tpu.memref_slice %arg8[%dma_wait3A_120, %dma_wait3A_121, %dma_wait3A_122] : memref<3x128x256xf32, #tpu.memory_space<vmem>> -> memref<1x128x128xf32, #tpu.memory_space<vmem>>
    %dma_wait3A_124 = tpu.memref_squeeze %dma_wait3A_123 : memref<1x128x128xf32, #tpu.memory_space<vmem>> -> memref<128x128xf32, #tpu.memory_space<vmem>>
    %dma_wait3A_125 = arith.constant 0 : i32
    %dma_wait3A_126 = tpu.memref_slice %arg7[%dma_wait3A_119, %dma_wait3A_125] : memref<16x128xi32, #tpu.memory_space<vmem>> -> memref<1x128xi32, #tpu.memory_space<vmem>>
    %dma_wait3A_127 = tpu.memref_squeeze %dma_wait3A_126 : memref<1x128xi32, #tpu.memory_space<vmem>> -> memref<128xi32, #tpu.memory_space<vmem>>
    %dma_wait3A_128 = arith.constant 0 : i32
    %dma_wait3A_129 = arith.constant 128 : i32
    %dma_wait3A_130 = tpu.memref_slice %arg2[%select_n3A, %dma_wait3A_128, %dma_wait3A_129] : memref<16x2048x256xf32, #tpu.memory_space<hbm>> -> memref<1x2048x128xf32, #tpu.memory_space<hbm>>
    %dma_wait3A_131 = tpu.memref_squeeze %dma_wait3A_130 : memref<1x2048x128xf32, #tpu.memory_space<hbm>> -> memref<2048x128xf32, #tpu.memory_space<hbm>>
    %dma_wait3A_132 = arith.constant 0 : i32
    %dma_wait3A_133 = arith.constant 0 : i32
    %dma_wait3A_134 = tpu.memref_slice %dma_wait3A_131[%dma_wait3A_132, %dma_wait3A_133] : memref<2048x128xf32, #tpu.memory_space<hbm>> -> memref<2048x128xf32, #tpu.memory_space<hbm>>
    tpu.wait_indirect_dma semaphore(%arg10 : memref<!tpu.dma_semaphore, #tpu.memory_space<semaphore_mem>>) src(%dma_wait3A_134 : memref<2048x128xf32, #tpu.memory_space<hbm>>) dst(%dma_wait3A_124 : memref<128x128xf32, #tpu.memory_space<vmem>>)
    %add3A_135 = arith.constant 1664 : i32
    %add3A_136 = arith.addi %mul3A_32, %add3A_135 : i32
    %dma_start3A_137 = arith.constant 1 : i32
    %dma_start3A_138 = arith.constant 0 : i32
    %dma_start3A_139 = arith.constant 0 : i32
    %dma_start3A_140 = tpu.memref_slice %arg8[%dma_start3A_137, %dma_start3A_138, %dma_start3A_139] : memref<3x128x256xf32, #tpu.memory_space<vmem>> -> memref<1x128x256xf32, #tpu.memory_space<vmem>>
    %dma_start3A_141 = tpu.memref_squeeze %dma_start3A_140 : memref<1x128x256xf32, #tpu.memory_space<vmem>> -> memref<128x256xf32, #tpu.memory_space<vmem>>
    %dma_start3A_142 = arith.constant 0 : i32
    %dma_start3A_143 = tpu.memref_slice %arg5[%select_n3A, %add3A_136, %dma_start3A_142] : memref<16x4096x256xf32, #tpu.memory_space<hbm>> -> memref<1x128x256xf32, #tpu.memory_space<hbm>>
    %dma_start3A_144 = tpu.memref_squeeze %dma_start3A_143 : memref<1x128x256xf32, #tpu.memory_space<hbm>> -> memref<128x256xf32, #tpu.memory_space<hbm>>
    %dma_start3A_145 = arith.constant 0 : i32
    %dma_start3A_146 = tpu.memref_slice %arg5[%select_n3A, %add3A_136, %dma_start3A_145] : memref<16x4096x256xf32, #tpu.memory_space<hbm>> -> memref<1x128x256xf32, #tpu.memory_space<hbm>>
    %dma_start3A_147 = tpu.memref_squeeze %dma_start3A_146 : memref<1x128x256xf32, #tpu.memory_space<hbm>> -> memref<128x256xf32, #tpu.memory_space<hbm>>
    %dma_start3A_148 = arith.constant 0 : i32
    %dma_start3A_149 = arith.constant 0 : i32
    %dma_start3A_150 = tpu.memref_slice %arg8[%dma_start3A_137, %dma_start3A_148, %dma_start3A_149] : memref<3x128x256xf32, #tpu.memory_space<vmem>> -> memref<1x128x256xf32, #tpu.memory_space<vmem>>
    %dma_start3A_151 = tpu.memref_squeeze %dma_start3A_150 : memref<1x128x256xf32, #tpu.memory_space<vmem>> -> memref<128x256xf32, #tpu.memory_space<vmem>>
    tpu.enqueue_dma source(%dma_start3A_151 : memref<128x256xf32, #tpu.memory_space<vmem>>) target(%dma_start3A_147 : memref<128x256xf32, #tpu.memory_space<hbm>>) target_semaphore(%arg13 : memref<!tpu.dma_semaphore, #tpu.memory_space<semaphore_mem>>)
    %dma_wait3A_152 = arith.constant 14 : i32
    %dma_wait3A_153 = arith.constant 2 : i32
    %dma_wait3A_154 = arith.constant 0 : i32
    %dma_wait3A_155 = arith.constant 0 : i32
    %dma_wait3A_156 = tpu.memref_slice %arg8[%dma_wait3A_153, %dma_wait3A_154, %dma_wait3A_155] : memref<3x128x256xf32, #tpu.memory_space<vmem>> -> memref<1x128x128xf32, #tpu.memory_space<vmem>>
    %dma_wait3A_157 = tpu.memref_squeeze %dma_wait3A_156 : memref<1x128x128xf32, #tpu.memory_space<vmem>> -> memref<128x128xf32, #tpu.memory_space<vmem>>
    %dma_wait3A_158 = arith.constant 0 : i32
    %dma_wait3A_159 = tpu.memref_slice %arg6[%dma_wait3A_152, %dma_wait3A_158] : memref<16x128xi32, #tpu.memory_space<vmem>> -> memref<1x128xi32, #tpu.memory_space<vmem>>
    %dma_wait3A_160 = tpu.memref_squeeze %dma_wait3A_159 : memref<1x128xi32, #tpu.memory_space<vmem>> -> memref<128xi32, #tpu.memory_space<vmem>>
    %dma_wait3A_161 = arith.constant 0 : i32
    %dma_wait3A_162 = arith.constant 0 : i32
    %dma_wait3A_163 = tpu.memref_slice %arg2[%select_n3A, %dma_wait3A_161, %dma_wait3A_162] : memref<16x2048x256xf32, #tpu.memory_space<hbm>> -> memref<1x2048x128xf32, #tpu.memory_space<hbm>>
    %dma_wait3A_164 = tpu.memref_squeeze %dma_wait3A_163 : memref<1x2048x128xf32, #tpu.memory_space<hbm>> -> memref<2048x128xf32, #tpu.memory_space<hbm>>
    %dma_wait3A_165 = arith.constant 0 : i32
    %dma_wait3A_166 = arith.constant 0 : i32
    %dma_wait3A_167 = tpu.memref_slice %dma_wait3A_164[%dma_wait3A_165, %dma_wait3A_166] : memref<2048x128xf32, #tpu.memory_space<hbm>> -> memref<2048x128xf32, #tpu.memory_space<hbm>>
    tpu.wait_indirect_dma semaphore(%arg11 : memref<!tpu.dma_semaphore, #tpu.memory_space<semaphore_mem>>) src(%dma_wait3A_167 : memref<2048x128xf32, #tpu.memory_space<hbm>>) dst(%dma_wait3A_157 : memref<128x128xf32, #tpu.memory_space<vmem>>)
    %dma_wait3A_168 = arith.constant 14 : i32
    %dma_wait3A_169 = arith.constant 2 : i32
    %dma_wait3A_170 = arith.constant 0 : i32
    %dma_wait3A_171 = arith.constant 128 : i32
    %dma_wait3A_172 = tpu.memref_slice %arg8[%dma_wait3A_169, %dma_wait3A_170, %dma_wait3A_171] : memref<3x128x256xf32, #tpu.memory_space<vmem>> -> memref<1x128x128xf32, #tpu.memory_space<vmem>>
    %dma_wait3A_173 = tpu.memref_squeeze %dma_wait3A_172 : memref<1x128x128xf32, #tpu.memory_space<vmem>> -> memref<128x128xf32, #tpu.memory_space<vmem>>
    %dma_wait3A_174 = arith.constant 0 : i32
    %dma_wait3A_175 = tpu.memref_slice %arg7[%dma_wait3A_168, %dma_wait3A_174] : memref<16x128xi32, #tpu.memory_space<vmem>> -> memref<1x128xi32, #tpu.memory_space<vmem>>
    %dma_wait3A_176 = tpu.memref_squeeze %dma_wait3A_175 : memref<1x128xi32, #tpu.memory_space<vmem>> -> memref<128xi32, #tpu.memory_space<vmem>>
    %dma_wait3A_177 = arith.constant 0 : i32
    %dma_wait3A_178 = arith.constant 128 : i32
    %dma_wait3A_179 = tpu.memref_slice %arg2[%select_n3A, %dma_wait3A_177, %dma_wait3A_178] : memref<16x2048x256xf32, #tpu.memory_space<hbm>> -> memref<1x2048x128xf32, #tpu.memory_space<hbm>>
    %dma_wait3A_180 = tpu.memref_squeeze %dma_wait3A_179 : memref<1x2048x128xf32, #tpu.memory_space<hbm>> -> memref<2048x128xf32, #tpu.memory_space<hbm>>
    %dma_wait3A_181 = arith.constant 0 : i32
    %dma_wait3A_182 = arith.constant 0 : i32
    %dma_wait3A_183 = tpu.memref_slice %dma_wait3A_180[%dma_wait3A_181, %dma_wait3A_182] : memref<2048x128xf32, #tpu.memory_space<hbm>> -> memref<2048x128xf32, #tpu.memory_space<hbm>>
    tpu.wait_indirect_dma semaphore(%arg11 : memref<!tpu.dma_semaphore, #tpu.memory_space<semaphore_mem>>) src(%dma_wait3A_183 : memref<2048x128xf32, #tpu.memory_space<hbm>>) dst(%dma_wait3A_173 : memref<128x128xf32, #tpu.memory_space<vmem>>)
    %add3A_184 = arith.constant 1792 : i32
    %add3A_185 = arith.addi %mul3A_32, %add3A_184 : i32
    %dma_start3A_186 = arith.constant 2 : i32
    %dma_start3A_187 = arith.constant 0 : i32
    %dma_start3A_188 = arith.constant 0 : i32
    %dma_start3A_189 = tpu.memref_slice %arg8[%dma_start3A_186, %dma_start3A_187, %dma_start3A_188] : memref<3x128x256xf32, #tpu.memory_space<vmem>> -> memref<1x128x256xf32, #tpu.memory_space<vmem>>
    %dma_start3A_190 = tpu.memref_squeeze %dma_start3A_189 : memref<1x128x256xf32, #tpu.memory_space<vmem>> -> memref<128x256xf32, #tpu.memory_space<vmem>>
    %dma_start3A_191 = arith.constant 0 : i32
    %dma_start3A_192 = tpu.memref_slice %arg5[%select_n3A, %add3A_185, %dma_start3A_191] : memref<16x4096x256xf32, #tpu.memory_space<hbm>> -> memref<1x128x256xf32, #tpu.memory_space<hbm>>
    %dma_start3A_193 = tpu.memref_squeeze %dma_start3A_192 : memref<1x128x256xf32, #tpu.memory_space<hbm>> -> memref<128x256xf32, #tpu.memory_space<hbm>>
    %dma_start3A_194 = arith.constant 0 : i32
    %dma_start3A_195 = tpu.memref_slice %arg5[%select_n3A, %add3A_185, %dma_start3A_194] : memref<16x4096x256xf32, #tpu.memory_space<hbm>> -> memref<1x128x256xf32, #tpu.memory_space<hbm>>
    %dma_start3A_196 = tpu.memref_squeeze %dma_start3A_195 : memref<1x128x256xf32, #tpu.memory_space<hbm>> -> memref<128x256xf32, #tpu.memory_space<hbm>>
    %dma_start3A_197 = arith.constant 0 : i32
    %dma_start3A_198 = arith.constant 0 : i32
    %dma_start3A_199 = tpu.memref_slice %arg8[%dma_start3A_186, %dma_start3A_197, %dma_start3A_198] : memref<3x128x256xf32, #tpu.memory_space<vmem>> -> memref<1x128x256xf32, #tpu.memory_space<vmem>>
    %dma_start3A_200 = tpu.memref_squeeze %dma_start3A_199 : memref<1x128x256xf32, #tpu.memory_space<vmem>> -> memref<128x256xf32, #tpu.memory_space<vmem>>
    tpu.enqueue_dma source(%dma_start3A_200 : memref<128x256xf32, #tpu.memory_space<vmem>>) target(%dma_start3A_196 : memref<128x256xf32, #tpu.memory_space<hbm>>) target_semaphore(%arg14 : memref<!tpu.dma_semaphore, #tpu.memory_space<semaphore_mem>>)
    %dma_wait3A_201 = arith.constant 15 : i32
    %dma_wait3A_202 = arith.constant 0 : i32
    %dma_wait3A_203 = arith.constant 0 : i32
    %dma_wait3A_204 = arith.constant 0 : i32
    %dma_wait3A_205 = tpu.memref_slice %arg8[%dma_wait3A_202, %dma_wait3A_203, %dma_wait3A_204] : memref<3x128x256xf32, #tpu.memory_space<vmem>> -> memref<1x128x128xf32, #tpu.memory_space<vmem>>
    %dma_wait3A_206 = tpu.memref_squeeze %dma_wait3A_205 : memref<1x128x128xf32, #tpu.memory_space<vmem>> -> memref<128x128xf32, #tpu.memory_space<vmem>>
    %dma_wait3A_207 = arith.constant 0 : i32
    %dma_wait3A_208 = tpu.memref_slice %arg6[%dma_wait3A_201, %dma_wait3A_207] : memref<16x128xi32, #tpu.memory_space<vmem>> -> memref<1x128xi32, #tpu.memory_space<vmem>>
    %dma_wait3A_209 = tpu.memref_squeeze %dma_wait3A_208 : memref<1x128xi32, #tpu.memory_space<vmem>> -> memref<128xi32, #tpu.memory_space<vmem>>
    %dma_wait3A_210 = arith.constant 0 : i32
    %dma_wait3A_211 = arith.constant 0 : i32
    %dma_wait3A_212 = tpu.memref_slice %arg2[%select_n3A, %dma_wait3A_210, %dma_wait3A_211] : memref<16x2048x256xf32, #tpu.memory_space<hbm>> -> memref<1x2048x128xf32, #tpu.memory_space<hbm>>
    %dma_wait3A_213 = tpu.memref_squeeze %dma_wait3A_212 : memref<1x2048x128xf32, #tpu.memory_space<hbm>> -> memref<2048x128xf32, #tpu.memory_space<hbm>>
    %dma_wait3A_214 = arith.constant 0 : i32
    %dma_wait3A_215 = arith.constant 0 : i32
    %dma_wait3A_216 = tpu.memref_slice %dma_wait3A_213[%dma_wait3A_214, %dma_wait3A_215] : memref<2048x128xf32, #tpu.memory_space<hbm>> -> memref<2048x128xf32, #tpu.memory_space<hbm>>
    tpu.wait_indirect_dma semaphore(%arg9 : memref<!tpu.dma_semaphore, #tpu.memory_space<semaphore_mem>>) src(%dma_wait3A_216 : memref<2048x128xf32, #tpu.memory_space<hbm>>) dst(%dma_wait3A_206 : memref<128x128xf32, #tpu.memory_space<vmem>>)
    %dma_wait3A_217 = arith.constant 15 : i32
    %dma_wait3A_218 = arith.constant 0 : i32
    %dma_wait3A_219 = arith.constant 0 : i32
    %dma_wait3A_220 = arith.constant 128 : i32
    %dma_wait3A_221 = tpu.memref_slice %arg8[%dma_wait3A_218, %dma_wait3A_219, %dma_wait3A_220] : memref<3x128x256xf32, #tpu.memory_space<vmem>> -> memref<1x128x128xf32, #tpu.memory_space<vmem>>
    %dma_wait3A_222 = tpu.memref_squeeze %dma_wait3A_221 : memref<1x128x128xf32, #tpu.memory_space<vmem>> -> memref<128x128xf32, #tpu.memory_space<vmem>>
    %dma_wait3A_223 = arith.constant 0 : i32
    %dma_wait3A_224 = tpu.memref_slice %arg7[%dma_wait3A_217, %dma_wait3A_223] : memref<16x128xi32, #tpu.memory_space<vmem>> -> memref<1x128xi32, #tpu.memory_space<vmem>>
    %dma_wait3A_225 = tpu.memref_squeeze %dma_wait3A_224 : memref<1x128xi32, #tpu.memory_space<vmem>> -> memref<128xi32, #tpu.memory_space<vmem>>
    %dma_wait3A_226 = arith.constant 0 : i32
    %dma_wait3A_227 = arith.constant 128 : i32
    %dma_wait3A_228 = tpu.memref_slice %arg2[%select_n3A, %dma_wait3A_226, %dma_wait3A_227] : memref<16x2048x256xf32, #tpu.memory_space<hbm>> -> memref<1x2048x128xf32, #tpu.memory_space<hbm>>
    %dma_wait3A_229 = tpu.memref_squeeze %dma_wait3A_228 : memref<1x2048x128xf32, #tpu.memory_space<hbm>> -> memref<2048x128xf32, #tpu.memory_space<hbm>>
    %dma_wait3A_230 = arith.constant 0 : i32
    %dma_wait3A_231 = arith.constant 0 : i32
    %dma_wait3A_232 = tpu.memref_slice %dma_wait3A_229[%dma_wait3A_230, %dma_wait3A_231] : memref<2048x128xf32, #tpu.memory_space<hbm>> -> memref<2048x128xf32, #tpu.memory_space<hbm>>
    tpu.wait_indirect_dma semaphore(%arg9 : memref<!tpu.dma_semaphore, #tpu.memory_space<semaphore_mem>>) src(%dma_wait3A_232 : memref<2048x128xf32, #tpu.memory_space<hbm>>) dst(%dma_wait3A_222 : memref<128x128xf32, #tpu.memory_space<vmem>>)
    %add3A_233 = arith.constant 1920 : i32
    %add3A_234 = arith.addi %mul3A_32, %add3A_233 : i32
    %dma_start3A_235 = arith.constant 0 : i32
    %dma_start3A_236 = arith.constant 0 : i32
    %dma_start3A_237 = arith.constant 0 : i32
    %dma_start3A_238 = tpu.memref_slice %arg8[%dma_start3A_235, %dma_start3A_236, %dma_start3A_237] : memref<3x128x256xf32, #tpu.memory_space<vmem>> -> memref<1x128x256xf32, #tpu.memory_space<vmem>>
    %dma_start3A_239 = tpu.memref_squeeze %dma_start3A_238 : memref<1x128x256xf32, #tpu.memory_space<vmem>> -> memref<128x256xf32, #tpu.memory_space<vmem>>
    %dma_start3A_240 = arith.constant 0 : i32
    %dma_start3A_241 = tpu.memref_slice %arg5[%select_n3A, %add3A_234, %dma_start3A_240] : memref<16x4096x256xf32, #tpu.memory_space<hbm>> -> memref<1x128x256xf32, #tpu.memory_space<hbm>>
    %dma_start3A_242 = tpu.memref_squeeze %dma_start3A_241 : memref<1x128x256xf32, #tpu.memory_space<hbm>> -> memref<128x256xf32, #tpu.memory_space<hbm>>
    %dma_start3A_243 = arith.constant 0 : i32
    %dma_start3A_244 = tpu.memref_slice %arg5[%select_n3A, %add3A_234, %dma_start3A_243] : memref<16x4096x256xf32, #tpu.memory_space<hbm>> -> memref<1x128x256xf32, #tpu.memory_space<hbm>>
    %dma_start3A_245 = tpu.memref_squeeze %dma_start3A_244 : memref<1x128x256xf32, #tpu.memory_space<hbm>> -> memref<128x256xf32, #tpu.memory_space<hbm>>
    %dma_start3A_246 = arith.constant 0 : i32
    %dma_start3A_247 = arith.constant 0 : i32
    %dma_start3A_248 = tpu.memref_slice %arg8[%dma_start3A_235, %dma_start3A_246, %dma_start3A_247] : memref<3x128x256xf32, #tpu.memory_space<vmem>> -> memref<1x128x256xf32, #tpu.memory_space<vmem>>
    %dma_start3A_249 = tpu.memref_squeeze %dma_start3A_248 : memref<1x128x256xf32, #tpu.memory_space<vmem>> -> memref<128x256xf32, #tpu.memory_space<vmem>>
    tpu.enqueue_dma source(%dma_start3A_249 : memref<128x256xf32, #tpu.memory_space<vmem>>) target(%dma_start3A_245 : memref<128x256xf32, #tpu.memory_space<hbm>>) target_semaphore(%arg12 : memref<!tpu.dma_semaphore, #tpu.memory_space<semaphore_mem>>)
    %add3A_250 = arith.constant 1664 : i32
    %add3A_251 = arith.addi %mul3A_32, %add3A_250 : i32
    %dma_wait3A_252 = arith.constant 1 : i32
    %dma_wait3A_253 = arith.constant 0 : i32
    %dma_wait3A_254 = arith.constant 0 : i32
    %dma_wait3A_255 = tpu.memref_slice %arg8[%dma_wait3A_252, %dma_wait3A_253, %dma_wait3A_254] : memref<3x128x256xf32, #tpu.memory_space<vmem>> -> memref<1x128x256xf32, #tpu.memory_space<vmem>>
    %dma_wait3A_256 = tpu.memref_squeeze %dma_wait3A_255 : memref<1x128x256xf32, #tpu.memory_space<vmem>> -> memref<128x256xf32, #tpu.memory_space<vmem>>
    %dma_wait3A_257 = arith.constant 0 : i32
    %dma_wait3A_258 = tpu.memref_slice %arg5[%select_n3A, %add3A_251, %dma_wait3A_257] : memref<16x4096x256xf32, #tpu.memory_space<hbm>> -> memref<1x128x256xf32, #tpu.memory_space<hbm>>
    %dma_wait3A_259 = tpu.memref_squeeze %dma_wait3A_258 : memref<1x128x256xf32, #tpu.memory_space<hbm>> -> memref<128x256xf32, #tpu.memory_space<hbm>>
    %dma_wait3A_260 = arith.constant 0 : i32
    %dma_wait3A_261 = tpu.memref_slice %arg5[%select_n3A, %add3A_251, %dma_wait3A_260] : memref<16x4096x256xf32, #tpu.memory_space<hbm>> -> memref<1x128x256xf32, #tpu.memory_space<hbm>>
    %dma_wait3A_262 = tpu.memref_squeeze %dma_wait3A_261 : memref<1x128x256xf32, #tpu.memory_space<hbm>> -> memref<128x256xf32, #tpu.memory_space<hbm>>
    %dma_wait3A_263 = arith.constant 0 : i32
    %dma_wait3A_264 = arith.constant 0 : i32
    %dma_wait3A_265 = tpu.memref_slice %arg8[%dma_wait3A_252, %dma_wait3A_263, %dma_wait3A_264] : memref<3x128x256xf32, #tpu.memory_space<vmem>> -> memref<1x128x256xf32, #tpu.memory_space<vmem>>
    %dma_wait3A_266 = tpu.memref_squeeze %dma_wait3A_265 : memref<1x128x256xf32, #tpu.memory_space<vmem>> -> memref<128x256xf32, #tpu.memory_space<vmem>>
    tpu.wait_dma2 semaphore(%arg13 : memref<!tpu.dma_semaphore, #tpu.memory_space<semaphore_mem>>) src(%dma_wait3A_266 : memref<128x256xf32, #tpu.memory_space<vmem>>) dst(%dma_wait3A_262 : memref<128x256xf32, #tpu.memory_space<hbm>>)
    %add3A_267 = arith.constant 1792 : i32
    %add3A_268 = arith.addi %mul3A_32, %add3A_267 : i32
    %dma_wait3A_269 = arith.constant 2 : i32
    %dma_wait3A_270 = arith.constant 0 : i32
    %dma_wait3A_271 = arith.constant 0 : i32
    %dma_wait3A_272 = tpu.memref_slice %arg8[%dma_wait3A_269, %dma_wait3A_270, %dma_wait3A_271] : memref<3x128x256xf32, #tpu.memory_space<vmem>> -> memref<1x128x256xf32, #tpu.memory_space<vmem>>
    %dma_wait3A_273 = tpu.memref_squeeze %dma_wait3A_272 : memref<1x128x256xf32, #tpu.memory_space<vmem>> -> memref<128x256xf32, #tpu.memory_space<vmem>>
    %dma_wait3A_274 = arith.constant 0 : i32
    %dma_wait3A_275 = tpu.memref_slice %arg5[%select_n3A, %add3A_268, %dma_wait3A_274] : memref<16x4096x256xf32, #tpu.memory_space<hbm>> -> memref<1x128x256xf32, #tpu.memory_space<hbm>>
    %dma_wait3A_276 = tpu.memref_squeeze %dma_wait3A_275 : memref<1x128x256xf32, #tpu.memory_space<hbm>> -> memref<128x256xf32, #tpu.memory_space<hbm>>
    %dma_wait3A_277 = arith.constant 0 : i32
    %dma_wait3A_278 = tpu.memref_slice %arg5[%select_n3A, %add3A_268, %dma_wait3A_277] : memref<16x4096x256xf32, #tpu.memory_space<hbm>> -> memref<1x128x256xf32, #tpu.memory_space<hbm>>
    %dma_wait3A_279 = tpu.memref_squeeze %dma_wait3A_278 : memref<1x128x256xf32, #tpu.memory_space<hbm>> -> memref<128x256xf32, #tpu.memory_space<hbm>>
    %dma_wait3A_280 = arith.constant 0 : i32
    %dma_wait3A_281 = arith.constant 0 : i32
    %dma_wait3A_282 = tpu.memref_slice %arg8[%dma_wait3A_269, %dma_wait3A_280, %dma_wait3A_281] : memref<3x128x256xf32, #tpu.memory_space<vmem>> -> memref<1x128x256xf32, #tpu.memory_space<vmem>>
    %dma_wait3A_283 = tpu.memref_squeeze %dma_wait3A_282 : memref<1x128x256xf32, #tpu.memory_space<vmem>> -> memref<128x256xf32, #tpu.memory_space<vmem>>
    tpu.wait_dma2 semaphore(%arg14 : memref<!tpu.dma_semaphore, #tpu.memory_space<semaphore_mem>>) src(%dma_wait3A_283 : memref<128x256xf32, #tpu.memory_space<vmem>>) dst(%dma_wait3A_279 : memref<128x256xf32, #tpu.memory_space<hbm>>)
    %add3A_284 = arith.constant 1920 : i32
    %add3A_285 = arith.addi %mul3A_32, %add3A_284 : i32
    %dma_wait3A_286 = arith.constant 0 : i32
    %dma_wait3A_287 = arith.constant 0 : i32
    %dma_wait3A_288 = arith.constant 0 : i32
    %dma_wait3A_289 = tpu.memref_slice %arg8[%dma_wait3A_286, %dma_wait3A_287, %dma_wait3A_288] : memref<3x128x256xf32, #tpu.memory_space<vmem>> -> memref<1x128x256xf32, #tpu.memory_space<vmem>>
    %dma_wait3A_290 = tpu.memref_squeeze %dma_wait3A_289 : memref<1x128x256xf32, #tpu.memory_space<vmem>> -> memref<128x256xf32, #tpu.memory_space<vmem>>
    %dma_wait3A_291 = arith.constant 0 : i32
    %dma_wait3A_292 = tpu.memref_slice %arg5[%select_n3A, %add3A_285, %dma_wait3A_291] : memref<16x4096x256xf32, #tpu.memory_space<hbm>> -> memref<1x128x256xf32, #tpu.memory_space<hbm>>
    %dma_wait3A_293 = tpu.memref_squeeze %dma_wait3A_292 : memref<1x128x256xf32, #tpu.memory_space<hbm>> -> memref<128x256xf32, #tpu.memory_space<hbm>>
    %dma_wait3A_294 = arith.constant 0 : i32
    %dma_wait3A_295 = tpu.memref_slice %arg5[%select_n3A, %add3A_285, %dma_wait3A_294] : memref<16x4096x256xf32, #tpu.memory_space<hbm>> -> memref<1x128x256xf32, #tpu.memory_space<hbm>>
    %dma_wait3A_296 = tpu.memref_squeeze %dma_wait3A_295 : memref<1x128x256xf32, #tpu.memory_space<hbm>> -> memref<128x256xf32, #tpu.memory_space<hbm>>
    %dma_wait3A_297 = arith.constant 0 : i32
    %dma_wait3A_298 = arith.constant 0 : i32
    %dma_wait3A_299 = tpu.memref_slice %arg8[%dma_wait3A_286, %dma_wait3A_297, %dma_wait3A_298] : memref<3x128x256xf32, #tpu.memory_space<vmem>> -> memref<1x128x256xf32, #tpu.memory_space<vmem>>
    %dma_wait3A_300 = tpu.memref_squeeze %dma_wait3A_299 : memref<1x128x256xf32, #tpu.memory_space<vmem>> -> memref<128x256xf32, #tpu.memory_space<vmem>>
    tpu.wait_dma2 semaphore(%arg12 : memref<!tpu.dma_semaphore, #tpu.memory_space<semaphore_mem>>) src(%dma_wait3A_300 : memref<128x256xf32, #tpu.memory_space<vmem>>) dst(%dma_wait3A_296 : memref<128x256xf32, #tpu.memory_space<hbm>>)
    return
  }
}

</mosaic_0001>

<sc_bundles>
// kernel: kernel.3.cloned.1.call-start
scs
__scs_entry_jumppad:
0x0: {  	(pc) =	sbr.rel $0x88, $3  }
0x1: {  	(tag) =	ssettag $0x0;
	lr =	simm.s32 $0x1  }
0x2: {  	[smem:$0x3F9F] =	sst lr;
	_ =	strace $0xD0000000  }
0x3: {  	_ = 	snop  }
0x4: {  	_ = 	snop  }
0x5: {  	_ = 	snop  }
0x6: {  	_ = 	snop  }
0x7: {  	_ = 	snop  }
__scs_overlays_trampoline_lowered:
0x8: {  	[smem:$0x3FAE] =	sst s0  }
0x9: {  	[smem:$0x3FAF] =	sst s1  }
0xa: {  	[smem:$0x3FB0] =	sst s2  }
0xb: {  	[smem:$0x3FB1] =	sst s3  }
0xc: {  	[smem:$0x3FB2] =	sst s4  }
0xd: {  	[smem:$0x3FB3] =	sst s5  }
0xe: {  	[smem:$0x3FB4] =	sst s6  }
0xf: {  	[smem:$0x3FB5] =	sst s7  }
0x10: {  	[smem:$0x3FB6] =	sst s8  }
0x11: {  	[smem:$0x3FB7] =	sst s9;
	s0 =	simm.s32 @!p0 $0x0  }
0x12: {  	s1 =	sld [smem:$0x3F9D];
	s0 =	simm.s32 @p0 $0x1  }
0x13: {  	[smem:$0x3FB8] =	sst s0;
	s0 =	simm.s32 @!p1 $0x0  }
0x14: {  	s2 =	sld [smem:$0x3F9C];
	s0 =	simm.s32 @p1 $0x1  }
0x15: {  	[smem:$0x3FB9] =	sst s0;
	s0 =	simm.s32 @!p2 $0x0  }
0x16: {  	s3 =	sld [smem:$0x3FDB];
	s0 =	simm.s32 @p2 $0x1  }
0x17: {  	s4 =	simm.s32 $0x1BF5;
	[smem:$0x3FBB] =	sst s0  }
0x18: {  	s0 =	sld [smem:$0x3F9E];
	_ =	swait.ge [sflag:s4], $0x0  }
0x19: {  	s7 =	sld [smem:$0x3F9F]  }
0x1a: {  	s8 =	sadd.s32 $0xFFFFE003, lr  }
0x1b: {  	s9 =	sadd.s32 $0xFFFFFEF7, lr;
	s5 =	simm.s32 $0xFFFFFFFF;
	p2 =	slt.u32 s8, $0xFFFFF086  }
0x1c: {  	p1 =	slt.u32 s9, $0xF7A;
	s5 =	simm.s32 @!p2 $0x0  }
0x1d: {  	s5 =	simm.s32 @p1 $0x1;
	p0 =	seq.s32 s7, s2  }
0x1e: {  	s7 =	smul.u32 @!p0 $0xF7A, s2;
	p2 =	seq.s32 @!p0 s5, $0x0  }
0x1f: {  	s9 =	smul.u32 $0xF7A, s1;
	s8 =	simm.s32 @!p0 $0x1BF5;
	p2 =	por !p2, p0  }
0x20: {  	[sflag:s8] =	ssyncset.s32 @!p0 $0xFFFFF086;
	s6 =	sadd.s32 @!p0 s3, s7;
	s7 =	simm.s32 @!p0 $0x108  }
0x21: {  	s3 =	sadd.s32 s3, s9;
	s6 =	sadd.s32 @!p0 $0x88, s6;
	s7 =	simm.s32 @p2 $0x1082  }
0x22: {  	[simem:s7], [sflag:s8] =	dma.local @!p0 [hbm:s6], $0xF7A  }
0x23: {  	s9 =	sor.u32 $0xD0000000, s2;
	s6 =	simm.s32 $0x108;
	_ =	swait.ge @!p0 [sflag:s8], $0x0  }
0x24: {  	s3 =	sadd.s32 $0x88, s3;
	s6 =	simm.s32 @!p1 $0x1082;
	[sflag:s4] =	ssyncset.s32 $0xFFFFF086  }
0x25: {  	[simem:s6], [sflag:s4] =	dma.local [hbm:s3], $0xF7A  }
0x26: {  	[smem:$0x3F9F] =	sst s1;
	(tag) =	ssettag s2;
	_ =	strace s9  }
0x27: {  	s1 =	sld [smem:$0x3FAF]  }
0x28: {  	s2 =	sld [smem:$0x3FB0]  }
0x29: {  	s4 =	sld [smem:$0x3FB2]  }
0x2a: {  	p0 =	seq.s32 s5, $0x0;
	s5 =	sld [smem:$0x3FB3]  }
0x2b: {  	s6 =	sld [smem:$0x3FB4]  }
0x2c: {  	s7 =	sld [smem:$0x3FB5]  }
0x2d: {  	s3 =	simm.s32 $0x108;
	s8 =	sld [smem:$0x3FB6]  }
0x2e: {  	s3 =	simm.s32 @!p0 $0x1082;
	s9 =	sld [smem:$0x3FB7]  }
0x2f: {  	lr =	sadd.s32 s0, s3;
	s0 =	sld [smem:$0x3FAE]  }
0x30: {  	s3 =	sld [smem:$0x3FB1]  }
0x31: {  	[smem:$0x3FBA] =	sst s10  }
0x32: {  	s10 =	sld [smem:$0x3FB8];
	_ =	sdelay $0x3  }
0x33: {  	p0 =	seq.s32 s10, $0x1;
	s10 =	sld [smem:$0x3FBA];
	_ =	sdelay $0x3  }
0x34: {  	[smem:$0x3FBA] =	sst s10  }
0x35: {  	s10 =	sld [smem:$0x3FB9];
	_ =	sdelay $0x3  }
0x36: {  	p1 =	seq.s32 s10, $0x1;
	s10 =	sld [smem:$0x3FBA];
	_ =	sdelay $0x3  }
0x37: {  	[smem:$0x3FBA] =	sst s10  }
0x38: {  	s10 =	sld [smem:$0x3FBB]  }
0x39: {  	_ = 	snop;
	(pc) =	sbr.ind lr, $3  }
0x3a: {  	_ = 	snop  }
0x3b: {  	_ = 	snop  }
0x3c: {  	p2 =	seq.s32 s10, $0x1;
	s10 =	sld [smem:$0x3FBA]  }
0x3d: {  	_ =	shalt  }
0x3e: {  	_ =	shalt  }
0x3f: {  	_ =	shalt  }
0x40: {  	_ =	shalt  }
0x41: {  	_ =	shalt  }
0x42: {  	_ =	shalt  }
0x43: {  	_ =	shalt  }
0x44: {  	_ =	shalt  }
0x45: {  	_ =	shalt  }
0x46: {  	_ =	shalt  }
0x47: {  	_ =	shalt  }
0x48: {  	_ =	shalt  }
0x49: {  	_ =	shalt  }
0x4a: {  	_ =	shalt  }
0x4b: {  	_ =	shalt  }
0x4c: {  	_ =	shalt  }
0x4d: {  	_ =	shalt  }
0x4e: {  	_ =	shalt  }
0x4f: {  	_ =	shalt  }
0x50: {  	_ =	shalt  }
0x51: {  	_ =	shalt  }
0x52: {  	_ =	shalt  }
0x53: {  	_ =	shalt  }
0x54: {  	_ =	shalt  }
0x55: {  	_ =	shalt  }
0x56: {  	_ =	shalt  }
0x57: {  	_ =	shalt  }
0x58: {  	_ =	shalt  }
0x59: {  	_ =	shalt  }
0x5a: {  	_ =	shalt  }
0x5b: {  	_ =	shalt  }
0x5c: {  	_ =	shalt  }
0x5d: {  	_ =	shalt  }
0x5e: {  	_ =	shalt  }
0x5f: {  	_ =	shalt  }
0x60: {  	_ =	shalt  }
0x61: {  	_ =	shalt  }
0x62: {  	_ =	shalt  }
0x63: {  	_ =	shalt  }
0x64: {  	_ =	shalt  }
0x65: {  	_ =	shalt  }
0x66: {  	_ =	shalt  }
0x67: {  	_ =	shalt  }
0x68: {  	_ =	shalt  }
0x69: {  	_ =	shalt  }
0x6a: {  	_ =	shalt  }
0x6b: {  	_ =	shalt  }
0x6c: {  	_ =	shalt  }
0x6d: {  	_ =	shalt  }
0x6e: {  	_ =	shalt  }
0x6f: {  	_ =	shalt  }
0x70: {  	_ =	shalt  }
0x71: {  	_ =	shalt  }
0x72: {  	_ =	shalt  }
0x73: {  	_ =	shalt  }
0x74: {  	_ =	shalt  }
0x75: {  	_ =	shalt  }
0x76: {  	_ =	shalt  }
0x77: {  	_ =	shalt  }
0x78: {  	_ =	shalt  }
0x79: {  	_ =	shalt  }
0x7a: {  	_ =	shalt  }
0x7b: {  	_ =	shalt  }
0x7c: {  	_ =	shalt  }
0x7d: {  	_ =	shalt  }
0x7e: {  	_ =	shalt  }
0x7f: {  	_ =	shalt  }
0x80: {  	_ =	shalt  }
0x81: {  	_ =	shalt  }
0x82: {  	_ =	shalt  }
0x83: {  	_ =	shalt  }
0x84: {  	_ =	shalt  }
0x85: {  	_ =	shalt  }
0x86: {  	_ =	shalt  }
0x87: {  	_ =	shalt  }
.Lfunc_end0:
.L_simem_size_0:
called_computation_lowered:
.L_overlay_start_0:
0x88: {  	s2 =	sld [smem:$0x3FD9]  }
0x89: {  	s3 =	sld [smem:$0x3FFE];
	_ =	sdelay $0x1  }
0x8a: {  	s1 =	srdreg.scid  }
0x8b: {  	s0 =	sand.u32 $0x1, s1  }
0x8c: {  	s17 =	sshll.u32 s0, $0xA;
	s2 =	sadd.s32 s3, s2  }
0x8d: {  	s2 =	sadd.s32 s2, s17  }
0x8e: {  	[smem:$0x3FC6] =	sst s2  }
0x8f: {  	_ = 	snop  }
0x90: {  	s2 =	sld [smem:$0x3FC9]  }
0x91: {  	s18 =	sld [smem:$0x3FD0];
	(tm) =	ssettm $0x1  }
0x92: {  	s4 =	sld [smem:$0x3FFB];
	_ =	sdelay $0x3  }
0x93: {  	_ =	strace s4  }
0x94: {  	s4 =	sld [smem:$0x3FFC];
	_ =	sdelay $0x3  }
0x95: {  	_ =	strace s4  }
0x96: {  	s4 =	sld [smem:$0x3FFD];
	_ =	sdelay $0x3  }
0x97: {  	_ =	strace s4  }
0x98: {  	_ =	strace $0x8FFFFFFF  }
0x99: {  	s19 =	sld [smem:$0x3FDB];
	_ =	sdelay $0x1  }
0x9a: {  	s5 =	simm.s32 $_scs_section_size  }
0x9b: {  	s6 =	simm.s32 $_size__tile_overlayer_lowered;
	s7 =	simm.s32 $_tile_overlayer_lowered  }
0x9c: {  	s22 =	simm.s32 $0x1BFF;
	s21 =	sshll.u32 s7, $0x1;
	s4 =	sadd.s32 s5, s19  }
0x9d: {  	s8 =	simm.s32 $0x0;
	s20 =	sshll.u32 s6, $0x1;
	s6 =	sadd.s32 s21, s4  }
0x9e: {  	[timem:s8], [sflag:s22] =	dma.local [hbm:s6], s20  }
0x9f: {  	_ =	swait.ge [sflag:s22], s20  }
0xa0: {  	s5 =	ssub.s32 $0x0, s20;
	[sflag:s22] =	ssyncset.done $0x0  }
0xa1: {  	[sflag:s22] =	ssyncadd.s32 s5;
	_ =	sdelay $0x1  }
0xa2: {  	s23 =	simm.s32 $0x1B8B  }
0xa3: {  	_ =	swait.ge [sflag:s23], $0x1  }
0xa4: {  	[sflag:s23] =	ssyncset.done $0x0  }
0xa5: {  	s25 =	simm.s32 $0x1B8E;
	s24 =	sld [smem:$0x3FFE];
	[sflag:s23] =	ssyncadd.s32 $0xFFFFFFFF  }
0xa6: {  	s26 =	simm.s32 $execute0_lowered;
	[smem:$0x3FD2] =	sst s25  }
0xa7: {  	s6 =	sshll.u32 s26, $0x1;
	_ =	strace $0x80000046;
	[dreg:$0x1] =	wrdreg $0xFFFFFFFF  }
0xa8: {  	s28 =	simm.s32 $_size_execute0_lowered;
	s4 =	sadd.s32 s4, s6;
	[dreg:$0x0] =	wrdreg $0x0  }
0xa9: {  	s6 =	sshll.u32 s28, $0x1;
	[dreg:$0x2] =	wrdreg s4  }
0xaa: {  	[dreg:$0x3] =	wrdreg s6  }
0xab: {  	[dreg:$0x4] =	wrdreg $0xC0  }
0xac: {  	_ =	task [dreg:s8], $0x5FFFF  }
0xad: {  	[dreg:$0x1] =	wrdreg $0xFFFFFFFF  }
0xae: {  	[dreg:$0x0] =	wrdreg $0x60  }
0xaf: {  	[dreg:$0x2] =	wrdreg s2  }
0xb0: {  	[dreg:$0x3] =	wrdreg s24  }
0xb1: {  	[dreg:$0x4] =	wrdreg s18  }
0xb2: {  	[dreg:$0x5] =	wrdreg $0x9  }
0xb3: {  	_ =	task.clear_ibuf [dreg:s8], $0x6FFFF;
	_ =	strace $0x90000046  }
0xb4: {  	s29 =	simm.s32 $0x9;
	_ =	strace $0x80000048  }
0xb5: {  	_ =	swait.ge [sflag:s29], $0x1  }
0xb6: {  	[sflag:s29] =	ssyncadd.s32 $0xFFFFFFFF  }
0xb7: {  	_ =	strace $0x90000048  }
0xb8: {  	_ =	sfence  }
0xb9: {  	s30 =	sld [smem:$0x0];
	_ =	sdelay $0x2  }
0xba: {  	s31 =	sshll.u32 s1, $0xD;
	s1 =	sshrl.u32 s1, $0x2  }
0xbb: {  	s3 =	sand.u32 $0x4000, s31;
	s1 =	sadd.s32 s1, s30  }
0xbc: {  	s0 =	sor.u32 s3, s0;
	s1 =	sshll.u32 s1, $0x11  }
0xbd: {  	s0 =	sor.u32 s1, s0  }
0xbe: {  	s0 =	sadd.s32 $0x8F2B, s0  }
0xbf: {  	[sflag:s0] =	ssyncadd.remote.s32 $0x1  }
0xc0: {  	_ =	sfence.sel $0xFFFF  }
0xc1: {  	[dreg:$0x0] =	wrdreg $0xFFFFFFFF;
	(pc) =	sbr.abs _section_cstart, $3  }
0xc2: {  	[dreg:$0x1] =	wrdreg $0xFFFFFFFF  }
0xc3: {  	_ =	task.clear_ibuf [dreg:s8], $0x2FFFF;
	_ =	strace $0x9FFFFFFF  }
0xc4: {  	(tm) =	ssettm $0x7FFFFFFF  }
0xc5: {  	_ =	shalt  }
tec
execute0_lowered:
.L_overlay_start_1:
0x0: {  	(tag) =	ssettag $0x1  }
0x1: {  	s0 =	rddreg [dreg:$0x0]  }
0x2: {  	s3 =	rddreg [dreg:$0x1]  }
0x3: {  	s1 =	rddreg [dreg:$0x2];
	s2 =	simm.s32 $0x0  }
0x4: {  	s4 =	simm.s32 $0x9800;
	[smem:$0x7FF] =	sst s2  }
0x5: {  	s25 =	simm.s32 $0xA000;
	_ =	strace $0x80000047;
	[dreg:$0x4] =	wrdreg s4  }
0x6: {  	s26 =	simm.s32 $0xA800;
	[dreg:$0x5] =	wrdreg s25  }
0x7: {  	s28 =	simm.s32 $0xB000;
	[dreg:$0x6] =	wrdreg s26  }
0x8: {  	s29 =	simm.s32 $0xB800;
	[dreg:$0x7] =	wrdreg s28  }
0x9: {  	s30 =	simm.s32 $0xC000;
	[dreg:$0x8] =	wrdreg s29  }
0xa: {  	s5 =	simm.s32 $0xC800;
	[dreg:$0x9] =	wrdreg s30  }
0xb: {  	s6 =	simm.s32 $0xD000;
	[dreg:$0xa] =	wrdreg s5  }
0xc: {  	s7 =	simm.s32 $0xD800;
	[dreg:$0xb] =	wrdreg s6  }
0xd: {  	s8 =	simm.s32 $0xE000;
	[dreg:$0xc] =	wrdreg s7  }
0xe: {  	s9 =	simm.s32 $0xE800;
	[dreg:$0xd] =	wrdreg s8  }
0xf: {  	s10 =	simm.s32 $0xF000;
	[dreg:$0xe] =	wrdreg s9  }
0x10: {  	s11 =	simm.s32 $0xF800;
	[dreg:$0xf] =	wrdreg s10  }
0x11: {  	s12 =	simm.s32 $0x10000;
	[dreg:$0x10] =	wrdreg s11  }
0x12: {  	s13 =	simm.s32 $0x10800;
	[dreg:$0x11] =	wrdreg s12  }
0x13: {  	s14 =	simm.s32 $0x9400;
	[dreg:$0x12] =	wrdreg s13  }
0x14: {  	s15 =	simm.s32 $0x9C00;
	[dreg:$0x13] =	wrdreg s14  }
0x15: {  	s16 =	simm.s32 $0xA400;
	[dreg:$0x14] =	wrdreg s15  }
0x16: {  	s17 =	simm.s32 $0xAC00;
	[dreg:$0x15] =	wrdreg s16  }
0x17: {  	s18 =	simm.s32 $0xB400;
	[dreg:$0x16] =	wrdreg s17  }
0x18: {  	s19 =	simm.s32 $0xBC00;
	[dreg:$0x17] =	wrdreg s18  }
0x19: {  	s20 =	simm.s32 $0xC400;
	[dreg:$0x18] =	wrdreg s19  }
0x1a: {  	s21 =	simm.s32 $0xCC00;
	[dreg:$0x19] =	wrdreg s20  }
0x1b: {  	s22 =	simm.s32 $0xD400;
	[dreg:$0x1a] =	wrdreg s21  }
0x1c: {  	s23 =	simm.s32 $0xDC00;
	[dreg:$0x1b] =	wrdreg s22  }
0x1d: {  	s24 =	simm.s32 $0xE400;
	[dreg:$0x1c] =	wrdreg s23  }
0x1e: {  	[dreg:$0x1d] =	wrdreg s24;
	s25 =	simm.s32 $0xEC00  }
0x1f: {  	s26 =	simm.s32 $0xF400;
	[dreg:$0x1e] =	wrdreg s25  }
0x20: {  	s28 =	simm.s32 $0xFC00;
	[dreg:$0x1f] =	wrdreg s26  }
0x21: {  	s29 =	simm.s32 $0x10400;
	[smem:$0x7D6] =	sst s28  }
0x22: {  	s10 =	simm.s32 $0x10C00;
	[smem:$0x7D7] =	sst s29  }
0x23: {  	s11 =	simm.s32 $0x11800;
	[smem:$0x7D8] =	sst s10  }
0x24: {  	s12 =	simm.s32 $0x12000;
	[smem:$0x7D9] =	sst s11  }
0x25: {  	s13 =	simm.s32 $0x12800;
	[smem:$0x7DA] =	sst s12  }
0x26: {  	s15 =	simm.s32 $0x13000;
	[smem:$0x7DB] =	sst s13  }
0x27: {  	s17 =	simm.s32 $0x13800;
	[smem:$0x7DC] =	sst s15  }
0x28: {  	s18 =	simm.s32 $0x14000;
	[smem:$0x7DD] =	sst s17  }
0x29: {  	s20 =	simm.s32 $0x14800;
	[smem:$0x7DF] =	sst s18  }
0x2a: {  	s21 =	simm.s32 $0x15000;
	[smem:$0x7E1] =	sst s20  }
0x2b: {  	s23 =	simm.s32 $0x15800;
	[smem:$0x7E2] =	sst s21  }
0x2c: {  	s31 =	simm.s32 $0x1800;
	s24 =	simm.s32 $0x16000;
	[smem:$0x7E3] =	sst s23  }
0x2d: {  	s5 =	srdreg.scid;
	[smem:$0x7E4] =	sst s24;
	s25 =	simm.s32 $0x16800  }
0x2e: {  	s8 =	stileid.u32;
	s26 =	simm.s32 $0x17000;
	[smem:$0x7E5] =	sst s25  }
0x2f: {  	s4 =	simm.s32 $0x1;
	s29 =	simm.s32 $0x17800;
	[smem:$0x7E6] =	sst s26  }
0x30: {  	s7 =	simm.s32 $0x1;
	s11 =	simm.s32 $0x11400;
	[smem:$0x7E7] =	sst s29  }
0x31: {  	s5 =	sand.u32 $0x1, s5;
	s12 =	simm.s32 $0x11C00;
	[smem:$0x7EA] =	sst s11  }
0x32: {  	s17 =	simm.s32 $0x13400;
	s20 =	simm.s32 $0x14400;
	[smem:$0x7EC] =	sst s12  }
0x33: {  	s21 =	simm.s32 $0x14C00;
	s23 =	simm.s32 $0x15C00;
	[smem:$0x7F2] =	sst s17  }
0x34: {  	s24 =	simm.s32 $0x16400;
	s6 =	sor.u32 s5, s8;
	[smem:$0x7F4] =	sst s20  }
0x35: {  	p1 =	seq.s32 s5, $0x1;
	s30 =	sshll.u32 s5, $0xB;
	[smem:$0x7F5] =	sst s21  }
0x36: {  	s14 =	ssub.s32 $0x2, s5;
	s5 =	sshll.u32 s5, $0x13;
	[smem:$0x7F7] =	sst s23  }
0x37: {  	[smem:$0x7F8] =	sst s24;
	s25 =	simm.s32 $0x16C00;
	s26 =	simm.s32 $0x17400  }
0x38: {  	s29 =	simm.s32 $0x18400;
	s11 =	simm.s32 $0x4000;
	s12 =	simm.s32 $0x4800  }
0x39: {  	s17 =	simm.s32 $0x6000;
	s20 =	simm.s32 $0x7800;
	s21 =	simm.s32 $0x8000  }
0x3a: {  	s23 =	simm.s32 $0x1400;
	s24 =	simm.s32 $0x1C00;
	[smem:$0x7F9] =	sst s25  }
0x3b: {  	p0 =	seq.s32 s6, $0x0;
	s16 =	sshrl.u32 s14, $0x1;
	[smem:$0x7FA] =	sst s26  }
0x3c: {  	[smem:$0x7FC] =	sst s29;
	s10 =	ssub.s32 s14, s16;
	s14 =	simm.s32 $0x12400  }
0x3d: {  	p0 =	por !p0, !p1;
	s16 =	simm.s32 $0x12C00;
	[smem:$0x7EE] =	sst s14  }
0x3e: {  	s25 =	simm.s32 $0x2400;
	p0 =	por !p0, !p0;
	[smem:$0x7F0] =	sst s16  }
0x3f: {  	s18 =	smax.u32 s10, $0x1;
	s16 =	simm.s32 $0x1000;
	s7 =	simm.s32 @!p0 $0x0  }
0x40: {  	s10 =	simm.s32 $0x3800;
	s14 =	simm.s32 $0x5800;
	s9 =	ssub.s32 s8, s7  }
0x41: {  	[smem:$0x7F1] =	sst s18;
	s18 =	simm.s32 $0x6800;
	s7 =	sshll.u32 s9, $0xC  }
0x42: {  	s22 =	sshll.u32 s9, $0x10;
	s28 =	sshll.u32 s9, $0x14;
	s7 =	sor.u32 s30, s7  }
0x43: {  	s6 =	sand.u32 $0x1FFF0000, s22;
	s30 =	simm.s32 $0x18000;
	s9 =	sor.u32 s5, s28  }
0x44: {  	s22 =	simm.s32 $0x15400;
	s28 =	simm.s32 $0x17C00;
	[smem:$0x7E8] =	sst s30  }
0x45: {  	s5 =	simm.s32 $0x0;
	s7 =	sshrl.u32 s7, $0x3;
	[smem:$0x7F6] =	sst s22  }
0x46: {  	[smem:$0x7FB] =	sst s28;
	s30 =	simm.s32 $0x18C00;
	s3 =	sadd.s32 s7, s3  }
0x47: {  	s7 =	sadd.s32 s0, s6;
	s6 =	simm.s32 $0x18800;
	[smem:$0x7FD] =	sst s30  }
0x48: {  	s19 =	sadd.s32 $0x2600, s3;
	s3 =	sadd.s32 $0x600, s3;
	[smem:$0x7E9] =	sst s6  }
0x49: {  	s22 =	simm.s32 $0x8800;
	[smem:$0x7E0] =	sst s3;
	s3 =	sshrl.u32 s9, $0x3  }
0x4a: {  	[smem:$0x7DE] =	sst s19;
	s19 =	simm.s32 $0x13C00;
	s3 =	sadd.s32 s3, s1  }
0x4b: {  	s8 =	sadd.s32 $0x80, s7;
	[smem:$0x7F3] =	sst s19;
	s13 =	sadd.s32 $0xD000, s3  }
0x4c: {  	v2 =	vlaneseq.u32;
	s6 =	simm.s32 $0x3000;
	s15 =	sadd.s32 $0xE000, s3;
	[smem:$0x7EB] =	sst s13  }
0x4d: {  	vm0 =	vmmov $0xff;
	v1 =	vshrl.u32 v2, $0x3;
	s19 =	simm.s32 $0x7000;
	s3 =	sadd.s32 $0xF000, s3;
	[smem:$0x7ED] =	sst s15  }
0x4e: {  	v0 =	vand.u32 $0x7, v2;
	v2 =	vor.u32 $0x8, v2;
	v1 =	vmul.u32 $0x8, v1;
	[smem:$0x7EF] =	sst s3;
	s15 =	simm.s32 $0x2000;
	s13 =	simm.s32 $0x5000  }
.LBB2_1:
0x4f: {  	s0 =	sld [smem:$0x7DE];
	_ =	sdelay $0x1  }
0x50: {  	[smem:$0x7D5] =	sst s5;
	s3 =	simm.s32 $0x7  }
0x51: {  	[tilespmem:s2], [sflag:$0x7] =	stream.linear.gather [hbm4b:s0+s2], $0x800, $0x38;
	[tilespmem:$0x19000] =	vst v63  }
0x52: {  	_ =	swait.ge [sflag:s3], $0x800  }
0x53: {  	s30 =	sld [smem:$0x7E0]  }
0x54: {  	[sflag:s3] =	ssyncset.done $0x0  }
0x55: {  	s26 =	simm.s32 $0x800;
	[sflag:s3] =	ssyncadd.s32 $0xFFFFF800  }
0x56: {  	[tilespmem:s26], [sflag:$0x7] =	stream.linear.gather [hbm4b:s30+s2], $0x800, $0x38;
	[tilespmem:$0x19000] =	vst v63  }
0x57: {  	_ =	swait.ge [sflag:s3], $0x800  }
0x58: {  	s5 =	simm.s32 $0x2800;
	s28 =	simm.s32 $0xC0;
	[sflag:s3] =	ssyncset.done $0x0  }
0x59: {  	s29 =	simm.s32 $0x0;
	s26 =	simm.s32 $0x8C0;
	[sflag:s3] =	ssyncadd.s32 $0xFFFFF800  }
.LBB2_2:
0x5a: {  	p0 =	seq.s32 s29, $0x0  }
0x5b: {  	s30 =	simm.s32 @!p0 $0x4  }
0x5c: {  	_ =	swait.ge @!p0 [sflag:s30], $0x8000  }
0x5d: {  	[sflag:s30] =	ssyncset.done @!p0 $0x0  }
0x5e: {  	[sflag:s30] =	ssyncadd.s32 @!p0 $0xFFFF8000  }
0x5f: {  	v3 =	vld [tilespmem:s28+$0xFFFFFF40];
	_ =	sdelay $0x4  }
0x60: {  	v4 =	vshll.u32 v3, $0x1  }
0x61: {  	v3 =	vand.u32 $0x7, v3;
	v4 =	vand.u32 $0xFFFFFFF0, v4  }
0x62: {  	v3 =	vor.u32 v3, v4  }
0x63: {  	v4 =	vperm.xlane v3, v0;
	_ =	sdelay $0x1  }
0x64: {  	v3 =	vperm.xlane v3, v2;
	v4 =	vadd.s32 v1, v4;
	_ =	sdelay $0x1  }
0x65: {  	v3 =	vadd.s32 v1, v3;
	_ =	sdelay $0x2  }
0x66: {  	[tilespmem:s16], [sflag:$0x1] =	stream.indirect_vreg.gather [hbm4b:s7+s2], $0x80, v4, vm0, $0xb8;
	[tilespmem:$0x19000] =	vst v63  }
0x67: {  	_ = 	snop  }
0x68: {  	[tilespmem:s31], [sflag:$0x1] =	stream.indirect_vreg.gather [hbm4b:s7+s2], $0x80, v3, vm0, $0xb8;
	[tilespmem:$0x19000] =	vst v63  }
0x69: {  	v3 =	vld [tilespmem:s28+$0xFFFFFF50];
	_ =	sdelay $0x4  }
0x6a: {  	v17 =	vshll.u32 v3, $0x1  }
0x6b: {  	v3 =	vand.u32 $0x7, v3;
	v4 =	vand.u32 $0xFFFFFFF0, v17  }
0x6c: {  	v3 =	vor.u32 v3, v4  }
0x6d: {  	v4 =	vperm.xlane v3, v0;
	_ =	sdelay $0x1  }
0x6e: {  	v3 =	vperm.xlane v3, v2;
	v4 =	vadd.s32 v1, v4;
	_ =	sdelay $0x1  }
0x6f: {  	v3 =	vadd.s32 v1, v3;
	_ =	sdelay $0x2  }
0x70: {  	[tilespmem:s15], [sflag:$0x1] =	stream.indirect_vreg.gather [hbm4b:s7+s2], $0x80, v4, vm0, $0xb8;
	[tilespmem:$0x19000] =	vst v63  }
0x71: {  	_ = 	snop  }
0x72: {  	[tilespmem:s5], [sflag:$0x1] =	stream.indirect_vreg.gather [hbm4b:s7+s2], $0x80, v3, vm0, $0xb8;
	[tilespmem:$0x19000] =	vst v63  }
0x73: {  	v3 =	vld [tilespmem:s28+$0xFFFFFF60];
	_ =	sdelay $0x4  }
0x74: {  	v18 =	vshll.u32 v3, $0x1  }
0x75: {  	v3 =	vand.u32 $0x7, v3;
	v4 =	vand.u32 $0xFFFFFFF0, v18  }
0x76: {  	v3 =	vor.u32 v3, v4  }
0x77: {  	v4 =	vperm.xlane v3, v0;
	_ =	sdelay $0x1  }
0x78: {  	v3 =	vperm.xlane v3, v2;
	v4 =	vadd.s32 v1, v4;
	_ =	sdelay $0x1  }
0x79: {  	v3 =	vadd.s32 v1, v3;
	_ =	sdelay $0x2  }
0x7a: {  	[tilespmem:s6], [sflag:$0x1] =	stream.indirect_vreg.gather [hbm4b:s7+s2], $0x80, v4, vm0, $0xb8;
	[tilespmem:$0x19000] =	vst v63  }
0x7b: {  	_ = 	snop  }
0x7c: {  	[tilespmem:s10], [sflag:$0x1] =	stream.indirect_vreg.gather [hbm4b:s7+s2], $0x80, v3, vm0, $0xb8;
	[tilespmem:$0x19000] =	vst v63  }
0x7d: {  	v3 =	vld [tilespmem:s28+$0xFFFFFF70];
	_ =	sdelay $0x4  }
0x7e: {  	v19 =	vshll.u32 v3, $0x1  }
0x7f: {  	v3 =	vand.u32 $0x7, v3;
	v4 =	vand.u32 $0xFFFFFFF0, v19  }
0x80: {  	v3 =	vor.u32 v3, v4  }
0x81: {  	v4 =	vperm.xlane v3, v0;
	_ =	sdelay $0x1  }
0x82: {  	v3 =	vperm.xlane v3, v2;
	v4 =	vadd.s32 v1, v4;
	_ =	sdelay $0x1  }
0x83: {  	v3 =	vadd.s32 v1, v3;
	_ =	sdelay $0x2  }
0x84: {  	[tilespmem:s11], [sflag:$0x1] =	stream.indirect_vreg.gather [hbm4b:s7+s2], $0x80, v4, vm0, $0xb8;
	[tilespmem:$0x19000] =	vst v63  }
0x85: {  	_ = 	snop  }
0x86: {  	[tilespmem:s12], [sflag:$0x1] =	stream.indirect_vreg.gather [hbm4b:s7+s2], $0x80, v3, vm0, $0xb8;
	[tilespmem:$0x19000] =	vst v63  }
0x87: {  	v3 =	vld [tilespmem:s28+$0xFFFFFF80];
	_ =	sdelay $0x4  }
0x88: {  	v20 =	vshll.u32 v3, $0x1  }
0x89: {  	v3 =	vand.u32 $0x7, v3;
	v4 =	vand.u32 $0xFFFFFFF0, v20  }
0x8a: {  	v3 =	vor.u32 v3, v4  }
0x8b: {  	v4 =	vperm.xlane v3, v0;
	_ =	sdelay $0x1  }
0x8c: {  	v3 =	vperm.xlane v3, v2;
	v4 =	vadd.s32 v1, v4;
	_ =	sdelay $0x1  }
0x8d: {  	v3 =	vadd.s32 v1, v3;
	_ =	sdelay $0x2  }
0x8e: {  	[tilespmem:s13], [sflag:$0x1] =	stream.indirect_vreg.gather [hbm4b:s7+s2], $0x80, v4, vm0, $0xb8;
	[tilespmem:$0x19000] =	vst v63  }
0x8f: {  	_ = 	snop  }
0x90: {  	[tilespmem:s14], [sflag:$0x1] =	stream.indirect_vreg.gather [hbm4b:s7+s2], $0x80, v3, vm0, $0xb8;
	[tilespmem:$0x19000] =	vst v63  }
0x91: {  	v3 =	vld [tilespmem:s28+$0xFFFFFF90];
	_ =	sdelay $0x4  }
0x92: {  	v21 =	vshll.u32 v3, $0x1  }
0x93: {  	v3 =	vand.u32 $0x7, v3;
	v4 =	vand.u32 $0xFFFFFFF0, v21  }
0x94: {  	v3 =	vor.u32 v3, v4  }
0x95: {  	v4 =	vperm.xlane v3, v0;
	_ =	sdelay $0x1  }
0x96: {  	v3 =	vperm.xlane v3, v2;
	v4 =	vadd.s32 v1, v4;
	_ =	sdelay $0x1  }
0x97: {  	v3 =	vadd.s32 v1, v3;
	_ =	sdelay $0x2  }
0x98: {  	[tilespmem:s17], [sflag:$0x1] =	stream.indirect_vreg.gather [hbm4b:s7+s2], $0x80, v4, vm0, $0xb8;
	[tilespmem:$0x19000] =	vst v63  }
0x99: {  	_ = 	snop  }
0x9a: {  	[tilespmem:s18], [sflag:$0x1] =	stream.indirect_vreg.gather [hbm4b:s7+s2], $0x80, v3, vm0, $0xb8;
	[tilespmem:$0x19000] =	vst v63  }
0x9b: {  	v3 =	vld [tilespmem:s28+$0xFFFFFFA0];
	_ =	sdelay $0x4  }
0x9c: {  	v22 =	vshll.u32 v3, $0x1  }
0x9d: {  	v3 =	vand.u32 $0x7, v3;
	v4 =	vand.u32 $0xFFFFFFF0, v22  }
0x9e: {  	v3 =	vor.u32 v3, v4  }
0x9f: {  	v4 =	vperm.xlane v3, v0;
	_ =	sdelay $0x1  }
0xa0: {  	v3 =	vperm.xlane v3, v2;
	v4 =	vadd.s32 v1, v4;
	_ =	sdelay $0x1  }
0xa1: {  	v3 =	vadd.s32 v1, v3;
	_ =	sdelay $0x2  }
0xa2: {  	[tilespmem:s19], [sflag:$0x1] =	stream.indirect_vreg.gather [hbm4b:s7+s2], $0x80, v4, vm0, $0xb8;
	[tilespmem:$0x19000] =	vst v63  }
0xa3: {  	_ = 	snop  }
0xa4: {  	[tilespmem:s20], [sflag:$0x1] =	stream.indirect_vreg.gather [hbm4b:s7+s2], $0x80, v3, vm0, $0xb8;
	[tilespmem:$0x19000] =	vst v63  }
0xa5: {  	v3 =	vld [tilespmem:s28+$0xFFFFFFB0];
	_ =	sdelay $0x4  }
0xa6: {  	v23 =	vshll.u32 v3, $0x1  }
0xa7: {  	v3 =	vand.u32 $0x7, v3;
	v4 =	vand.u32 $0xFFFFFFF0, v23  }
0xa8: {  	v3 =	vor.u32 v3, v4  }
0xa9: {  	v4 =	vperm.xlane v3, v0;
	_ =	sdelay $0x1  }
0xaa: {  	v3 =	vperm.xlane v3, v2;
	v4 =	vadd.s32 v1, v4;
	_ =	sdelay $0x1  }
0xab: {  	v3 =	vadd.s32 v1, v3;
	_ =	sdelay $0x2  }
0xac: {  	[tilespmem:s21], [sflag:$0x1] =	stream.indirect_vreg.gather [hbm4b:s7+s2], $0x80, v4, vm0, $0xb8;
	[tilespmem:$0x19000] =	vst v63  }
0xad: {  	_ = 	snop  }
0xae: {  	[tilespmem:s22], [sflag:$0x1] =	stream.indirect_vreg.gather [hbm4b:s7+s2], $0x80, v3, vm0, $0xb8;
	[tilespmem:$0x19000] =	vst v63  }
0xaf: {  	v3 =	vld [tilespmem:s26+$0xFFFFFF40];
	_ =	sdelay $0x4  }
0xb0: {  	v24 =	vshll.u32 v3, $0x1  }
0xb1: {  	v3 =	vand.u32 $0x7, v3;
	v4 =	vand.u32 $0xFFFFFFF0, v24  }
0xb2: {  	v3 =	vor.u32 v3, v4  }
0xb3: {  	v4 =	vperm.xlane v3, v0;
	_ =	sdelay $0x1  }
0xb4: {  	v3 =	vperm.xlane v3, v2;
	v4 =	vadd.s32 v1, v4;
	_ =	sdelay $0x1  }
0xb5: {  	v3 =	vadd.s32 v1, v3;
	_ =	sdelay $0x2  }
0xb6: {  	[tilespmem:s23], [sflag:$0x1] =	stream.indirect_vreg.gather [hbm4b:s8+s2], $0x80, v4, vm0, $0xb8;
	[tilespmem:$0x19000] =	vst v63  }
0xb7: {  	_ = 	snop  }
0xb8: {  	[tilespmem:s24], [sflag:$0x1] =	stream.indirect_vreg.gather [hbm4b:s8+s2], $0x80, v3, vm0, $0xb8;
	[tilespmem:$0x19000] =	vst v63  }
0xb9: {  	v3 =	vld [tilespmem:s26+$0xFFFFFF50];
	_ =	sdelay $0x4  }
0xba: {  	v25 =	vshll.u32 v3, $0x1  }
0xbb: {  	v3 =	vand.u32 $0x7, v3;
	v4 =	vand.u32 $0xFFFFFFF0, v25  }
0xbc: {  	v3 =	vor.u32 v3, v4  }
0xbd: {  	v4 =	vperm.xlane v3, v0;
	_ =	sdelay $0x1  }
0xbe: {  	v3 =	vperm.xlane v3, v2;
	v4 =	vadd.s32 v1, v4;
	_ =	sdelay $0x1  }
0xbf: {  	v3 =	vadd.s32 v1, v3;
	_ =	sdelay $0x2  }
0xc0: {  	[tilespmem:s25], [sflag:$0x1] =	stream.indirect_vreg.gather [hbm4b:s8+s2], $0x80, v4, vm0, $0xb8;
	[tilespmem:$0x19000] =	vst v63  }
0xc1: {  	s0 =	simm.s32 $0x2C00  }
0xc2: {  	[tilespmem:s0], [sflag:$0x1] =	stream.indirect_vreg.gather [hbm4b:s8+s2], $0x80, v3, vm0, $0xb8;
	[tilespmem:$0x19000] =	vst v63  }
0xc3: {  	v3 =	vld [tilespmem:s26+$0xFFFFFF60];
	_ =	sdelay $0x4  }
0xc4: {  	v26 =	vshll.u32 v3, $0x1  }
0xc5: {  	v3 =	vand.u32 $0x7, v3;
	v4 =	vand.u32 $0xFFFFFFF0, v26  }
0xc6: {  	v3 =	vor.u32 v3, v4  }
0xc7: {  	v4 =	vperm.xlane v3, v0;
	_ =	sdelay $0x1  }
0xc8: {  	v3 =	vperm.xlane v3, v2;
	v4 =	vadd.s32 v1, v4;
	_ =	sdelay $0x1  }
0xc9: {  	v3 =	vadd.s32 v1, v3;
	_ =	sdelay $0x1  }
0xca: {  	s3 =	simm.s32 $0x3400  }
0xcb: {  	[tilespmem:s3], [sflag:$0x1] =	stream.indirect_vreg.gather [hbm4b:s8+s2], $0x80, v4, vm0, $0xb8;
	[tilespmem:$0x19000] =	vst v63  }
0xcc: {  	s3 =	simm.s32 $0x3C00  }
0xcd: {  	[tilespmem:s3], [sflag:$0x1] =	stream.indirect_vreg.gather [hbm4b:s8+s2], $0x80, v3, vm0, $0xb8;
	[tilespmem:$0x19000] =	vst v63  }
0xce: {  	v3 =	vld [tilespmem:s26+$0xFFFFFF70];
	_ =	sdelay $0x4  }
0xcf: {  	v27 =	vshll.u32 v3, $0x1  }
0xd0: {  	v3 =	vand.u32 $0x7, v3;
	v4 =	vand.u32 $0xFFFFFFF0, v27  }
0xd1: {  	v3 =	vor.u32 v3, v4  }
0xd2: {  	v4 =	vperm.xlane v3, v0;
	_ =	sdelay $0x1  }
0xd3: {  	v3 =	vperm.xlane v3, v2;
	v4 =	vadd.s32 v1, v4;
	_ =	sdelay $0x1  }
0xd4: {  	v3 =	vadd.s32 v1, v3;
	_ =	sdelay $0x1  }
0xd5: {  	s3 =	simm.s32 $0x4400  }
0xd6: {  	[tilespmem:s3], [sflag:$0x1] =	stream.indirect_vreg.gather [hbm4b:s8+s2], $0x80, v4, vm0, $0xb8;
	[tilespmem:$0x19000] =	vst v63  }
0xd7: {  	s3 =	simm.s32 $0x4C00  }
0xd8: {  	[tilespmem:s3], [sflag:$0x1] =	stream.indirect_vreg.gather [hbm4b:s8+s2], $0x80, v3, vm0, $0xb8;
	[tilespmem:$0x19000] =	vst v63  }
0xd9: {  	v3 =	vld [tilespmem:s26+$0xFFFFFF80];
	_ =	sdelay $0x4  }
0xda: {  	v28 =	vshll.u32 v3, $0x1  }
0xdb: {  	v3 =	vand.u32 $0x7, v3;
	v4 =	vand.u32 $0xFFFFFFF0, v28  }
0xdc: {  	v3 =	vor.u32 v3, v4  }
0xdd: {  	v4 =	vperm.xlane v3, v0;
	_ =	sdelay $0x1  }
0xde: {  	v3 =	vperm.xlane v3, v2;
	v4 =	vadd.s32 v1, v4;
	_ =	sdelay $0x1  }
0xdf: {  	v3 =	vadd.s32 v1, v3;
	_ =	sdelay $0x1  }
0xe0: {  	s3 =	simm.s32 $0x5400  }
0xe1: {  	[tilespmem:s3], [sflag:$0x1] =	stream.indirect_vreg.gather [hbm4b:s8+s2], $0x80, v4, vm0, $0xb8;
	[tilespmem:$0x19000] =	vst v63  }
0xe2: {  	s3 =	simm.s32 $0x5C00  }
0xe3: {  	[tilespmem:s3], [sflag:$0x1] =	stream.indirect_vreg.gather [hbm4b:s8+s2], $0x80, v3, vm0, $0xb8;
	[tilespmem:$0x19000] =	vst v63  }
0xe4: {  	v3 =	vld [tilespmem:s26+$0xFFFFFF90];
	_ =	sdelay $0x4  }
0xe5: {  	v29 =	vshll.u32 v3, $0x1  }
0xe6: {  	v3 =	vand.u32 $0x7, v3;
	v4 =	vand.u32 $0xFFFFFFF0, v29  }
0xe7: {  	v3 =	vor.u32 v3, v4  }
0xe8: {  	v4 =	vperm.xlane v3, v0;
	_ =	sdelay $0x1  }
0xe9: {  	v3 =	vperm.xlane v3, v2;
	v4 =	vadd.s32 v1, v4;
	_ =	sdelay $0x1  }
0xea: {  	v3 =	vadd.s32 v1, v3;
	_ =	sdelay $0x1  }
0xeb: {  	s3 =	simm.s32 $0x6400  }
0xec: {  	[tilespmem:s3], [sflag:$0x1] =	stream.indirect_vreg.gather [hbm4b:s8+s2], $0x80, v4, vm0, $0xb8;
	[tilespmem:$0x19000] =	vst v63  }
0xed: {  	s3 =	simm.s32 $0x6C00  }
0xee: {  	[tilespmem:s3], [sflag:$0x1] =	stream.indirect_vreg.gather [hbm4b:s8+s2], $0x80, v3, vm0, $0xb8;
	[tilespmem:$0x19000] =	vst v63  }
0xef: {  	v3 =	vld [tilespmem:s26+$0xFFFFFFA0];
	_ =	sdelay $0x4  }
0xf0: {  	v30 =	vshll.u32 v3, $0x1  }
0xf1: {  	v3 =	vand.u32 $0x7, v3;
	v4 =	vand.u32 $0xFFFFFFF0, v30  }
0xf2: {  	v3 =	vor.u32 v3, v4  }
0xf3: {  	v4 =	vperm.xlane v3, v0;
	_ =	sdelay $0x1  }
0xf4: {  	v3 =	vperm.xlane v3, v2;
	v4 =	vadd.s32 v1, v4;
	_ =	sdelay $0x1  }
0xf5: {  	v3 =	vadd.s32 v1, v3;
	_ =	sdelay $0x1  }
0xf6: {  	s3 =	simm.s32 $0x7400  }
0xf7: {  	[tilespmem:s3], [sflag:$0x1] =	stream.indirect_vreg.gather [hbm4b:s8+s2], $0x80, v4, vm0, $0xb8;
	[tilespmem:$0x19000] =	vst v63  }
0xf8: {  	s3 =	simm.s32 $0x7C00  }
0xf9: {  	[tilespmem:s3], [sflag:$0x1] =	stream.indirect_vreg.gather [hbm4b:s8+s2], $0x80, v3, vm0, $0xb8;
	[tilespmem:$0x19000] =	vst v63  }
0xfa: {  	v3 =	vld [tilespmem:s26+$0xFFFFFFB0];
	_ =	sdelay $0x4  }
0xfb: {  	v31 =	vshll.u32 v3, $0x1  }
0xfc: {  	v3 =	vand.u32 $0x7, v3;
	v4 =	vand.u32 $0xFFFFFFF0, v31  }
0xfd: {  	v3 =	vor.u32 v3, v4  }
0xfe: {  	v4 =	vperm.xlane v3, v0;
	_ =	sdelay $0x1  }
0xff: {  	v3 =	vperm.xlane v3, v2;
	v4 =	vadd.s32 v1, v4;
	_ =	sdelay $0x1  }
0x100: {  	v3 =	vadd.s32 v1, v3;
	_ =	sdelay $0x1  }
0x101: {  	s3 =	simm.s32 $0x8400  }
0x102: {  	[tilespmem:s3], [sflag:$0x1] =	stream.indirect_vreg.gather [hbm4b:s8+s2], $0x80, v4, vm0, $0xb8;
	[tilespmem:$0x19000] =	vst v63  }
0x103: {  	s31 =	simm.s32 @!p0 $0x2;
	s3 =	simm.s32 $0x8C00  }
0x104: {  	[tilespmem:s3], [sflag:$0x1] =	stream.indirect_vreg.gather [hbm4b:s8+s2], $0x80, v3, vm0, $0xb8;
	[tilespmem:$0x19000] =	vst v63  }
0x105: {  	_ =	swait.ge @!p0 [sflag:s31], $0x4000  }
0x106: {  	s30 =	sadd.s32 @!p0 s29, s9;
	[sflag:s31] =	ssyncset.done @!p0 $0x0  }
0x107: {  	s0 =	sadd.s32 @!p0 $0xFFFF0000, s30;
	[sflag:s31] =	ssyncadd.s32 @!p0 $0xFFFFC000  }
0x108: {  	s0 =	sshrl.u32 @!p0 s0, $0x3;
	_ =	swait.ge @!p0 [sflag:s31], $0x4000  }
0x109: {  	s0 =	sadd.s32 @!p0 s1, s0;
	[sflag:s31] =	ssyncset.done @!p0 $0x0  }
0x10a: {  	s3 =	simm.s32 @!p0 $0x9000;
	[sflag:s31] =	ssyncadd.s32 @!p0 $0xFFFFC000;
	s31 =	simm.s32 @!p0 $0x0  }
0x10b: {  	[hbm4b:s0+s31] =	stream.linear.scatter @!p0 [tilespmem:s3], [sflag:$0x5], $0x8000, $0x38;
	[tilespmem:$0x19000] =	vst v63  }
0x10c: {  	s0 =	simm.s32 @!p0 $0x5  }
0x10d: {  	_ =	swait.ge @!p0 [sflag:s0], $0x8000  }
0x10e: {  	[sflag:s0] =	ssyncset.done @!p0 $0x0  }
0x10f: {  	[sflag:s0] =	ssyncadd.s32 @!p0 $0xFFFF8000  }
0x110: {  	v3 =	vld [tilespmem:s28+$0xFFFFFFC0];
	_ =	sdelay $0x4  }
0x111: {  	v32 =	vshll.u32 v3, $0x1  }
0x112: {  	v3 =	vand.u32 $0x7, v3;
	v4 =	vand.u32 $0xFFFFFFF0, v32  }
0x113: {  	v3 =	vor.u32 v3, v4  }
0x114: {  	v4 =	vperm.xlane v3, v0;
	_ =	sdelay $0x1  }
0x115: {  	v3 =	vperm.xlane v3, v2;
	v4 =	vadd.s32 v1, v4;
	_ =	sdelay $0x1  }
0x116: {  	v3 =	vadd.s32 v1, v3;
	_ =	sdelay $0x1  }
0x117: {  	s3 =	simm.s32 $0x9000  }
0x118: {  	[tilespmem:s3], [sflag:$0x2] =	stream.indirect_vreg.gather [hbm4b:s7+s2], $0x80, v4, vm0, $0xb8;
	[tilespmem:$0x19000] =	vst v63  }
0x119: {  	s0 =	rddreg [dreg:$0x4]  }
0x11a: {  	[tilespmem:s0], [sflag:$0x2] =	stream.indirect_vreg.gather [hbm4b:s7+s2], $0x80, v3, vm0, $0xb8;
	[tilespmem:$0x19000] =	vst v63  }
0x11b: {  	v3 =	vld [tilespmem:s28+$0xFFFFFFD0];
	_ =	sdelay $0x4  }
0x11c: {  	v33 =	vshll.u32 v3, $0x1  }
0x11d: {  	v3 =	vand.u32 $0x7, v3;
	v4 =	vand.u32 $0xFFFFFFF0, v33  }
0x11e: {  	v3 =	vor.u32 v3, v4  }
0x11f: {  	v4 =	vperm.xlane v3, v0;
	_ =	sdelay $0x1  }
0x120: {  	v3 =	vperm.xlane v3, v2;
	v4 =	vadd.s32 v1, v4;
	_ =	sdelay $0x1  }
0x121: {  	v3 =	vadd.s32 v1, v3;
	_ =	sdelay $0x1  }
0x122: {  	s0 =	rddreg [dreg:$0x5]  }
0x123: {  	[tilespmem:s0], [sflag:$0x2] =	stream.indirect_vreg.gather [hbm4b:s7+s2], $0x80, v4, vm0, $0xb8;
	[tilespmem:$0x19000] =	vst v63  }
0x124: {  	s3 =	rddreg [dreg:$0x6]  }
0x125: {  	[tilespmem:s3], [sflag:$0x2] =	stream.indirect_vreg.gather [hbm4b:s7+s2], $0x80, v3, vm0, $0xb8;
	[tilespmem:$0x19000] =	vst v63  }
0x126: {  	v3 =	vld [tilespmem:s28+$0xFFFFFFE0];
	_ =	sdelay $0x4  }
0x127: {  	v34 =	vshll.u32 v3, $0x1  }
0x128: {  	v3 =	vand.u32 $0x7, v3;
	v4 =	vand.u32 $0xFFFFFFF0, v34  }
0x129: {  	v3 =	vor.u32 v3, v4  }
0x12a: {  	v4 =	vperm.xlane v3, v0;
	_ =	sdelay $0x1  }
0x12b: {  	v3 =	vperm.xlane v3, v2;
	v4 =	vadd.s32 v1, v4;
	_ =	sdelay $0x1  }
0x12c: {  	v3 =	vadd.s32 v1, v3;
	_ =	sdelay $0x1  }
0x12d: {  	s0 =	rddreg [dreg:$0x7]  }
0x12e: {  	[tilespmem:s0], [sflag:$0x2] =	stream.indirect_vreg.gather [hbm4b:s7+s2], $0x80, v4, vm0, $0xb8;
	[tilespmem:$0x19000] =	vst v63  }
0x12f: {  	s3 =	rddreg [dreg:$0x8]  }
0x130: {  	[tilespmem:s3], [sflag:$0x2] =	stream.indirect_vreg.gather [hbm4b:s7+s2], $0x80, v3, vm0, $0xb8;
	[tilespmem:$0x19000] =	vst v63  }
0x131: {  	v3 =	vld [tilespmem:s28+$0xFFFFFFF0];
	_ =	sdelay $0x4  }
0x132: {  	v35 =	vshll.u32 v3, $0x1  }
0x133: {  	v3 =	vand.u32 $0x7, v3;
	v4 =	vand.u32 $0xFFFFFFF0, v35  }
0x134: {  	v3 =	vor.u32 v3, v4  }
0x135: {  	v4 =	vperm.xlane v3, v0;
	_ =	sdelay $0x1  }
0x136: {  	v3 =	vperm.xlane v3, v2;
	v4 =	vadd.s32 v1, v4;
	_ =	sdelay $0x1  }
0x137: {  	v3 =	vadd.s32 v1, v3;
	_ =	sdelay $0x1  }
0x138: {  	s0 =	rddreg [dreg:$0x9]  }
0x139: {  	[tilespmem:s0], [sflag:$0x2] =	stream.indirect_vreg.gather [hbm4b:s7+s2], $0x80, v4, vm0, $0xb8;
	[tilespmem:$0x19000] =	vst v63  }
0x13a: {  	s3 =	rddreg [dreg:$0xa]  }
0x13b: {  	[tilespmem:s3], [sflag:$0x2] =	stream.indirect_vreg.gather [hbm4b:s7+s2], $0x80, v3, vm0, $0xb8;
	[tilespmem:$0x19000] =	vst v63  }
0x13c: {  	v3 =	vld [tilespmem:s28+$0x0];
	_ =	sdelay $0x4  }
0x13d: {  	v36 =	vshll.u32 v3, $0x1  }
0x13e: {  	v3 =	vand.u32 $0x7, v3;
	v4 =	vand.u32 $0xFFFFFFF0, v36  }
0x13f: {  	v3 =	vor.u32 v3, v4  }
0x140: {  	v4 =	vperm.xlane v3, v0;
	_ =	sdelay $0x1  }
0x141: {  	v3 =	vperm.xlane v3, v2;
	v4 =	vadd.s32 v1, v4;
	_ =	sdelay $0x1  }
0x142: {  	v3 =	vadd.s32 v1, v3;
	_ =	sdelay $0x1  }
0x143: {  	s0 =	rddreg [dreg:$0xb]  }
0x144: {  	[tilespmem:s0], [sflag:$0x2] =	stream.indirect_vreg.gather [hbm4b:s7+s2], $0x80, v4, vm0, $0xb8;
	[tilespmem:$0x19000] =	vst v63  }
0x145: {  	s3 =	rddreg [dreg:$0xc]  }
0x146: {  	[tilespmem:s3], [sflag:$0x2] =	stream.indirect_vreg.gather [hbm4b:s7+s2], $0x80, v3, vm0, $0xb8;
	[tilespmem:$0x19000] =	vst v63  }
0x147: {  	v3 =	vld [tilespmem:s28+$0x10];
	_ =	sdelay $0x4  }
0x148: {  	v37 =	vshll.u32 v3, $0x1  }
0x149: {  	v3 =	vand.u32 $0x7, v3;
	v4 =	vand.u32 $0xFFFFFFF0, v37  }
0x14a: {  	v3 =	vor.u32 v3, v4  }
0x14b: {  	v4 =	vperm.xlane v3, v0;
	_ =	sdelay $0x1  }
0x14c: {  	v3 =	vperm.xlane v3, v2;
	v4 =	vadd.s32 v1, v4;
	_ =	sdelay $0x1  }
0x14d: {  	v3 =	vadd.s32 v1, v3;
	_ =	sdelay $0x1  }
0x14e: {  	s0 =	rddreg [dreg:$0xd]  }
0x14f: {  	[tilespmem:s0], [sflag:$0x2] =	stream.indirect_vreg.gather [hbm4b:s7+s2], $0x80, v4, vm0, $0xb8;
	[tilespmem:$0x19000] =	vst v63  }
0x150: {  	s3 =	rddreg [dreg:$0xe]  }
0x151: {  	[tilespmem:s3], [sflag:$0x2] =	stream.indirect_vreg.gather [hbm4b:s7+s2], $0x80, v3, vm0, $0xb8;
	[tilespmem:$0x19000] =	vst v63  }
0x152: {  	v3 =	vld [tilespmem:s28+$0x20];
	_ =	sdelay $0x4  }
0x153: {  	v38 =	vshll.u32 v3, $0x1  }
0x154: {  	v3 =	vand.u32 $0x7, v3;
	v4 =	vand.u32 $0xFFFFFFF0, v38  }
0x155: {  	v3 =	vor.u32 v3, v4  }
0x156: {  	v4 =	vperm.xlane v3, v0;
	_ =	sdelay $0x1  }
0x157: {  	v3 =	vperm.xlane v3, v2;
	v4 =	vadd.s32 v1, v4;
	_ =	sdelay $0x1  }
0x158: {  	v3 =	vadd.s32 v1, v3;
	_ =	sdelay $0x1  }
0x159: {  	s0 =	rddreg [dreg:$0xf]  }
0x15a: {  	[tilespmem:s0], [sflag:$0x2] =	stream.indirect_vreg.gather [hbm4b:s7+s2], $0x80, v4, vm0, $0xb8;
	[tilespmem:$0x19000] =	vst v63  }
0x15b: {  	s3 =	rddreg [dreg:$0x10]  }
0x15c: {  	[tilespmem:s3], [sflag:$0x2] =	stream.indirect_vreg.gather [hbm4b:s7+s2], $0x80, v3, vm0, $0xb8;
	[tilespmem:$0x19000] =	vst v63  }
0x15d: {  	v3 =	vld [tilespmem:s28+$0x30];
	_ =	sdelay $0x4  }
0x15e: {  	v39 =	vshll.u32 v3, $0x1  }
0x15f: {  	v3 =	vand.u32 $0x7, v3;
	v4 =	vand.u32 $0xFFFFFFF0, v39  }
0x160: {  	v3 =	vor.u32 v3, v4  }
0x161: {  	v4 =	vperm.xlane v3, v0;
	_ =	sdelay $0x1  }
0x162: {  	v3 =	vperm.xlane v3, v2;
	v4 =	vadd.s32 v1, v4;
	_ =	sdelay $0x1  }
0x163: {  	v3 =	vadd.s32 v1, v3;
	_ =	sdelay $0x1  }
0x164: {  	s0 =	rddreg [dreg:$0x11]  }
0x165: {  	[tilespmem:s0], [sflag:$0x2] =	stream.indirect_vreg.gather [hbm4b:s7+s2], $0x80, v4, vm0, $0xb8;
	[tilespmem:$0x19000] =	vst v63  }
0x166: {  	s3 =	rddreg [dreg:$0x12]  }
0x167: {  	[tilespmem:s3], [sflag:$0x2] =	stream.indirect_vreg.gather [hbm4b:s7+s2], $0x80, v3, vm0, $0xb8;
	[tilespmem:$0x19000] =	vst v63  }
0x168: {  	v3 =	vld [tilespmem:s26+$0xFFFFFFC0];
	_ =	sdelay $0x4  }
0x169: {  	v40 =	vshll.u32 v3, $0x1  }
0x16a: {  	v3 =	vand.u32 $0x7, v3;
	v4 =	vand.u32 $0xFFFFFFF0, v40  }
0x16b: {  	v3 =	vor.u32 v3, v4  }
0x16c: {  	v4 =	vperm.xlane v3, v0;
	_ =	sdelay $0x1  }
0x16d: {  	v3 =	vperm.xlane v3, v2;
	v4 =	vadd.s32 v1, v4;
	_ =	sdelay $0x1  }
0x16e: {  	v3 =	vadd.s32 v1, v3;
	_ =	sdelay $0x1  }
0x16f: {  	s0 =	rddreg [dreg:$0x13]  }
0x170: {  	[tilespmem:s0], [sflag:$0x2] =	stream.indirect_vreg.gather [hbm4b:s8+s2], $0x80, v4, vm0, $0xb8;
	[tilespmem:$0x19000] =	vst v63  }
0x171: {  	s3 =	rddreg [dreg:$0x14]  }
0x172: {  	[tilespmem:s3], [sflag:$0x2] =	stream.indirect_vreg.gather [hbm4b:s8+s2], $0x80, v3, vm0, $0xb8;
	[tilespmem:$0x19000] =	vst v63  }
0x173: {  	v3 =	vld [tilespmem:s26+$0xFFFFFFD0];
	_ =	sdelay $0x4  }
0x174: {  	v41 =	vshll.u32 v3, $0x1  }
0x175: {  	v3 =	vand.u32 $0x7, v3;
	v4 =	vand.u32 $0xFFFFFFF0, v41  }
0x176: {  	v3 =	vor.u32 v3, v4  }
0x177: {  	v4 =	vperm.xlane v3, v0;
	_ =	sdelay $0x1  }
0x178: {  	v3 =	vperm.xlane v3, v2;
	v4 =	vadd.s32 v1, v4;
	_ =	sdelay $0x1  }
0x179: {  	v3 =	vadd.s32 v1, v3;
	_ =	sdelay $0x1  }
0x17a: {  	s0 =	rddreg [dreg:$0x15]  }
0x17b: {  	[tilespmem:s0], [sflag:$0x2] =	stream.indirect_vreg.gather [hbm4b:s8+s2], $0x80, v4, vm0, $0xb8;
	[tilespmem:$0x19000] =	vst v63  }
0x17c: {  	s3 =	rddreg [dreg:$0x16]  }
0x17d: {  	[tilespmem:s3], [sflag:$0x2] =	stream.indirect_vreg.gather [hbm4b:s8+s2], $0x80, v3, vm0, $0xb8;
	[tilespmem:$0x19000] =	vst v63  }
0x17e: {  	v3 =	vld [tilespmem:s26+$0xFFFFFFE0];
	_ =	sdelay $0x4  }
0x17f: {  	v42 =	vshll.u32 v3, $0x1  }
0x180: {  	v3 =	vand.u32 $0x7, v3;
	v4 =	vand.u32 $0xFFFFFFF0, v42  }
0x181: {  	v3 =	vor.u32 v3, v4  }
0x182: {  	v4 =	vperm.xlane v3, v0;
	_ =	sdelay $0x1  }
0x183: {  	v3 =	vperm.xlane v3, v2;
	v4 =	vadd.s32 v1, v4;
	_ =	sdelay $0x1  }
0x184: {  	v3 =	vadd.s32 v1, v3;
	_ =	sdelay $0x1  }
0x185: {  	s0 =	rddreg [dreg:$0x17]  }
0x186: {  	[tilespmem:s0], [sflag:$0x2] =	stream.indirect_vreg.gather [hbm4b:s8+s2], $0x80, v4, vm0, $0xb8;
	[tilespmem:$0x19000] =	vst v63  }
0x187: {  	s3 =	rddreg [dreg:$0x18]  }
0x188: {  	[tilespmem:s3], [sflag:$0x2] =	stream.indirect_vreg.gather [hbm4b:s8+s2], $0x80, v3, vm0, $0xb8;
	[tilespmem:$0x19000] =	vst v63  }
0x189: {  	v3 =	vld [tilespmem:s26+$0xFFFFFFF0];
	_ =	sdelay $0x4  }
0x18a: {  	v43 =	vshll.u32 v3, $0x1  }
0x18b: {  	v3 =	vand.u32 $0x7, v3;
	v4 =	vand.u32 $0xFFFFFFF0, v43  }
0x18c: {  	v3 =	vor.u32 v3, v4  }
0x18d: {  	v4 =	vperm.xlane v3, v0;
	_ =	sdelay $0x1  }
0x18e: {  	v3 =	vperm.xlane v3, v2;
	v4 =	vadd.s32 v1, v4;
	_ =	sdelay $0x1  }
0x18f: {  	v3 =	vadd.s32 v1, v3;
	_ =	sdelay $0x1  }
0x190: {  	s0 =	rddreg [dreg:$0x19]  }
0x191: {  	[tilespmem:s0], [sflag:$0x2] =	stream.indirect_vreg.gather [hbm4b:s8+s2], $0x80, v4, vm0, $0xb8;
	[tilespmem:$0x19000] =	vst v63  }
0x192: {  	s3 =	rddreg [dreg:$0x1a]  }
0x193: {  	[tilespmem:s3], [sflag:$0x2] =	stream.indirect_vreg.gather [hbm4b:s8+s2], $0x80, v3, vm0, $0xb8;
	[tilespmem:$0x19000] =	vst v63  }
0x194: {  	v3 =	vld [tilespmem:s26+$0x0];
	_ =	sdelay $0x4  }
0x195: {  	v44 =	vshll.u32 v3, $0x1  }
0x196: {  	v3 =	vand.u32 $0x7, v3;
	v4 =	vand.u32 $0xFFFFFFF0, v44  }
0x197: {  	v3 =	vor.u32 v3, v4  }
0x198: {  	v4 =	vperm.xlane v3, v0;
	_ =	sdelay $0x1  }
0x199: {  	v3 =	vperm.xlane v3, v2;
	v4 =	vadd.s32 v1, v4;
	_ =	sdelay $0x1  }
0x19a: {  	v3 =	vadd.s32 v1, v3;
	_ =	sdelay $0x1  }
0x19b: {  	s0 =	rddreg [dreg:$0x1b]  }
0x19c: {  	[tilespmem:s0], [sflag:$0x2] =	stream.indirect_vreg.gather [hbm4b:s8+s2], $0x80, v4, vm0, $0xb8;
	[tilespmem:$0x19000] =	vst v63  }
0x19d: {  	s3 =	rddreg [dreg:$0x1c]  }
0x19e: {  	[tilespmem:s3], [sflag:$0x2] =	stream.indirect_vreg.gather [hbm4b:s8+s2], $0x80, v3, vm0, $0xb8;
	[tilespmem:$0x19000] =	vst v63  }
0x19f: {  	v3 =	vld [tilespmem:s26+$0x10];
	_ =	sdelay $0x4  }
0x1a0: {  	v45 =	vshll.u32 v3, $0x1  }
0x1a1: {  	v3 =	vand.u32 $0x7, v3;
	v4 =	vand.u32 $0xFFFFFFF0, v45  }
0x1a2: {  	v3 =	vor.u32 v3, v4  }
0x1a3: {  	v4 =	vperm.xlane v3, v0;
	_ =	sdelay $0x1  }
0x1a4: {  	v3 =	vperm.xlane v3, v2;
	v4 =	vadd.s32 v1, v4;
	_ =	sdelay $0x1  }
0x1a5: {  	v3 =	vadd.s32 v1, v3;
	_ =	sdelay $0x1  }
0x1a6: {  	s0 =	rddreg [dreg:$0x1d]  }
0x1a7: {  	[tilespmem:s0], [sflag:$0x2] =	stream.indirect_vreg.gather [hbm4b:s8+s2], $0x80, v4, vm0, $0xb8;
	[tilespmem:$0x19000] =	vst v63  }
0x1a8: {  	s3 =	rddreg [dreg:$0x1e]  }
0x1a9: {  	[tilespmem:s3], [sflag:$0x2] =	stream.indirect_vreg.gather [hbm4b:s8+s2], $0x80, v3, vm0, $0xb8;
	[tilespmem:$0x19000] =	vst v63  }
0x1aa: {  	v3 =	vld [tilespmem:s26+$0x20];
	_ =	sdelay $0x4  }
0x1ab: {  	v46 =	vshll.u32 v3, $0x1  }
0x1ac: {  	v3 =	vand.u32 $0x7, v3;
	v4 =	vand.u32 $0xFFFFFFF0, v46  }
0x1ad: {  	v3 =	vor.u32 v3, v4  }
0x1ae: {  	v4 =	vperm.xlane v3, v0;
	_ =	sdelay $0x1  }
0x1af: {  	v3 =	vperm.xlane v3, v2;
	v4 =	vadd.s32 v1, v4;
	_ =	sdelay $0x1  }
0x1b0: {  	v3 =	vadd.s32 v1, v3  }
0x1b1: {  	s0 =	rddreg [dreg:$0x1f]  }
0x1b2: {  	s3 =	sld [smem:$0x7D6]  }
0x1b3: {  	[tilespmem:s0], [sflag:$0x2] =	stream.indirect_vreg.gather [hbm4b:s8+s2], $0x80, v4, vm0, $0xb8;
	[tilespmem:$0x19000] =	vst v63  }
0x1b4: {  	_ = 	snop  }
0x1b5: {  	[tilespmem:s3], [sflag:$0x2] =	stream.indirect_vreg.gather [hbm4b:s8+s2], $0x80, v3, vm0, $0xb8;
	[tilespmem:$0x19000] =	vst v63  }
0x1b6: {  	v3 =	vld [tilespmem:s26+$0x30];
	_ =	sdelay $0x4  }
0x1b7: {  	v47 =	vshll.u32 v3, $0x1  }
0x1b8: {  	v3 =	vand.u32 $0x7, v3;
	v4 =	vand.u32 $0xFFFFFFF0, v47  }
0x1b9: {  	v3 =	vor.u32 v3, v4  }
0x1ba: {  	v4 =	vperm.xlane v3, v0;
	_ =	sdelay $0x1  }
0x1bb: {  	v3 =	vperm.xlane v3, v2;
	v4 =	vadd.s32 v1, v4;
	_ =	sdelay $0x1  }
0x1bc: {  	s0 =	sld [smem:$0x7D7];
	v3 =	vadd.s32 v1, v3;
	_ =	sdelay $0x1  }
0x1bd: {  	s3 =	sld [smem:$0x7D8]  }
0x1be: {  	[tilespmem:s0], [sflag:$0x2] =	stream.indirect_vreg.gather [hbm4b:s8+s2], $0x80, v4, vm0, $0xb8;
	[tilespmem:$0x19000] =	vst v63  }
0x1bf: {  	s0 =	simm.s32 @!p0 $0x3  }
0x1c0: {  	[tilespmem:s3], [sflag:$0x2] =	stream.indirect_vreg.gather [hbm4b:s8+s2], $0x80, v3, vm0, $0xb8;
	[tilespmem:$0x19000] =	vst v63  }
0x1c1: {  	_ =	swait.ge @!p0 [sflag:s0], $0x4000  }
0x1c2: {  	[sflag:s0] =	ssyncset.done @!p0 $0x0  }
0x1c3: {  	[sflag:s0] =	ssyncadd.s32 @!p0 $0xFFFFC000  }
0x1c4: {  	s3 =	sadd.s32 @!p0 $0xFFFF8000, s30;
	_ =	swait.ge @!p0 [sflag:s0], $0x4000  }
0x1c5: {  	s3 =	sshrl.u32 @!p0 s3, $0x3;
	[sflag:s0] =	ssyncset.done @!p0 $0x0  }
0x1c6: {  	[sflag:s0] =	ssyncadd.s32 @!p0 $0xFFFFC000;
	s0 =	sadd.s32 @!p0 s1, s3;
	s3 =	simm.s32 @!p0 $0x11000  }
0x1c7: {  	[hbm4b:s0+s31] =	stream.linear.scatter @!p0 [tilespmem:s3], [sflag:$0x6], $0x8000, $0x38;
	[tilespmem:$0x19000] =	vst v63  }
0x1c8: {  	s0 =	simm.s32 @!p0 $0x6  }
0x1c9: {  	_ =	swait.ge @!p0 [sflag:s0], $0x8000  }
0x1ca: {  	[sflag:s0] =	ssyncset.done @!p0 $0x0  }
0x1cb: {  	[sflag:s0] =	ssyncadd.s32 @!p0 $0xFFFF8000  }
0x1cc: {  	v3 =	vld [tilespmem:s28+$0x40];
	_ =	sdelay $0x4  }
0x1cd: {  	v48 =	vshll.u32 v3, $0x1  }
0x1ce: {  	v3 =	vand.u32 $0x7, v3;
	v4 =	vand.u32 $0xFFFFFFF0, v48  }
0x1cf: {  	v3 =	vor.u32 v3, v4  }
0x1d0: {  	v4 =	vperm.xlane v3, v0;
	_ =	sdelay $0x1  }
0x1d1: {  	v3 =	vperm.xlane v3, v2;
	v4 =	vadd.s32 v1, v4;
	_ =	sdelay $0x1  }
0x1d2: {  	v3 =	vadd.s32 v1, v3;
	_ =	sdelay $0x1  }
0x1d3: {  	s30 =	simm.s32 $0x11000;
	s3 =	sld [smem:$0x7D9]  }
0x1d4: {  	[tilespmem:s30], [sflag:$0x3] =	stream.indirect_vreg.gather [hbm4b:s7+s2], $0x80, v4, vm0, $0xb8;
	[tilespmem:$0x19000] =	vst v63  }
0x1d5: {  	_ = 	snop  }
0x1d6: {  	[tilespmem:s3], [sflag:$0x3] =	stream.indirect_vreg.gather [hbm4b:s7+s2], $0x80, v3, vm0, $0xb8;
	[tilespmem:$0x19000] =	vst v63  }
0x1d7: {  	v3 =	vld [tilespmem:s28+$0x50];
	_ =	sdelay $0x4  }
0x1d8: {  	v49 =	vshll.u32 v3, $0x1  }
0x1d9: {  	v3 =	vand.u32 $0x7, v3;
	v4 =	vand.u32 $0xFFFFFFF0, v49  }
0x1da: {  	v3 =	vor.u32 v3, v4  }
0x1db: {  	v4 =	vperm.xlane v3, v0;
	_ =	sdelay $0x1  }
0x1dc: {  	v3 =	vperm.xlane v3, v2;
	v4 =	vadd.s32 v1, v4;
	_ =	sdelay $0x1  }
0x1dd: {  	s0 =	sld [smem:$0x7DA];
	v3 =	vadd.s32 v1, v3;
	_ =	sdelay $0x1  }
0x1de: {  	s3 =	sld [smem:$0x7DB]  }
0x1df: {  	[tilespmem:s0], [sflag:$0x3] =	stream.indirect_vreg.gather [hbm4b:s7+s2], $0x80, v4, vm0, $0xb8;
	[tilespmem:$0x19000] =	vst v63  }
0x1e0: {  	_ = 	snop  }
0x1e1: {  	[tilespmem:s3], [sflag:$0x3] =	stream.indirect_vreg.gather [hbm4b:s7+s2], $0x80, v3, vm0, $0xb8;
	[tilespmem:$0x19000] =	vst v63  }
0x1e2: {  	v3 =	vld [tilespmem:s28+$0x60];
	_ =	sdelay $0x4  }
0x1e3: {  	v50 =	vshll.u32 v3, $0x1  }
0x1e4: {  	v3 =	vand.u32 $0x7, v3;
	v4 =	vand.u32 $0xFFFFFFF0, v50  }
0x1e5: {  	v3 =	vor.u32 v3, v4  }
0x1e6: {  	v4 =	vperm.xlane v3, v0;
	_ =	sdelay $0x1  }
0x1e7: {  	v3 =	vperm.xlane v3, v2;
	v4 =	vadd.s32 v1, v4;
	_ =	sdelay $0x1  }
0x1e8: {  	s0 =	sld [smem:$0x7DC];
	v3 =	vadd.s32 v1, v3;
	_ =	sdelay $0x1  }
0x1e9: {  	s3 =	sld [smem:$0x7DD]  }
0x1ea: {  	[tilespmem:s0], [sflag:$0x3] =	stream.indirect_vreg.gather [hbm4b:s7+s2], $0x80, v4, vm0, $0xb8;
	[tilespmem:$0x19000] =	vst v63  }
0x1eb: {  	_ = 	snop  }
0x1ec: {  	[tilespmem:s3], [sflag:$0x3] =	stream.indirect_vreg.gather [hbm4b:s7+s2], $0x80, v3, vm0, $0xb8;
	[tilespmem:$0x19000] =	vst v63  }
0x1ed: {  	v3 =	vld [tilespmem:s28+$0x70];
	_ =	sdelay $0x4  }
0x1ee: {  	v51 =	vshll.u32 v3, $0x1  }
0x1ef: {  	v3 =	vand.u32 $0x7, v3;
	v4 =	vand.u32 $0xFFFFFFF0, v51  }
0x1f0: {  	v3 =	vor.u32 v3, v4  }
0x1f1: {  	v4 =	vperm.xlane v3, v0;
	_ =	sdelay $0x1  }
0x1f2: {  	v3 =	vperm.xlane v3, v2;
	v4 =	vadd.s32 v1, v4;
	_ =	sdelay $0x1  }
0x1f3: {  	s0 =	sld [smem:$0x7DF];
	v3 =	vadd.s32 v1, v3;
	_ =	sdelay $0x1  }
0x1f4: {  	s3 =	sld [smem:$0x7E1]  }
0x1f5: {  	[tilespmem:s0], [sflag:$0x3] =	stream.indirect_vreg.gather [hbm4b:s7+s2], $0x80, v4, vm0, $0xb8;
	[tilespmem:$0x19000] =	vst v63  }
0x1f6: {  	_ = 	snop  }
0x1f7: {  	[tilespmem:s3], [sflag:$0x3] =	stream.indirect_vreg.gather [hbm4b:s7+s2], $0x80, v3, vm0, $0xb8;
	[tilespmem:$0x19000] =	vst v63  }
0x1f8: {  	v3 =	vld [tilespmem:s28+$0x80];
	_ =	sdelay $0x4  }
0x1f9: {  	v52 =	vshll.u32 v3, $0x1  }
0x1fa: {  	v3 =	vand.u32 $0x7, v3;
	v4 =	vand.u32 $0xFFFFFFF0, v52  }
0x1fb: {  	v3 =	vor.u32 v3, v4  }
0x1fc: {  	v4 =	vperm.xlane v3, v0;
	_ =	sdelay $0x1  }
0x1fd: {  	v3 =	vperm.xlane v3, v2;
	v4 =	vadd.s32 v1, v4;
	_ =	sdelay $0x1  }
0x1fe: {  	s0 =	sld [smem:$0x7E2];
	v3 =	vadd.s32 v1, v3;
	_ =	sdelay $0x1  }
0x1ff: {  	s3 =	sld [smem:$0x7E3]  }
0x200: {  	[tilespmem:s0], [sflag:$0x3] =	stream.indirect_vreg.gather [hbm4b:s7+s2], $0x80, v4, vm0, $0xb8;
	[tilespmem:$0x19000] =	vst v63  }
0x201: {  	_ = 	snop  }
0x202: {  	[tilespmem:s3], [sflag:$0x3] =	stream.indirect_vreg.gather [hbm4b:s7+s2], $0x80, v3, vm0, $0xb8;
	[tilespmem:$0x19000] =	vst v63  }
0x203: {  	v3 =	vld [tilespmem:s28+$0x90];
	_ =	sdelay $0x4  }
0x204: {  	v53 =	vshll.u32 v3, $0x1  }
0x205: {  	v3 =	vand.u32 $0x7, v3;
	v4 =	vand.u32 $0xFFFFFFF0, v53  }
0x206: {  	v3 =	vor.u32 v3, v4  }
0x207: {  	v4 =	vperm.xlane v3, v0;
	_ =	sdelay $0x1  }
0x208: {  	v3 =	vperm.xlane v3, v2;
	v4 =	vadd.s32 v1, v4;
	_ =	sdelay $0x1  }
0x209: {  	s0 =	sld [smem:$0x7E4];
	v3 =	vadd.s32 v1, v3;
	_ =	sdelay $0x1  }
0x20a: {  	s3 =	sld [smem:$0x7E5]  }
0x20b: {  	[tilespmem:s0], [sflag:$0x3] =	stream.indirect_vreg.gather [hbm4b:s7+s2], $0x80, v4, vm0, $0xb8;
	[tilespmem:$0x19000] =	vst v63  }
0x20c: {  	_ = 	snop  }
0x20d: {  	[tilespmem:s3], [sflag:$0x3] =	stream.indirect_vreg.gather [hbm4b:s7+s2], $0x80, v3, vm0, $0xb8;
	[tilespmem:$0x19000] =	vst v63  }
0x20e: {  	v3 =	vld [tilespmem:s28+$0xA0];
	_ =	sdelay $0x4  }
0x20f: {  	v54 =	vshll.u32 v3, $0x1  }
0x210: {  	v3 =	vand.u32 $0x7, v3;
	v4 =	vand.u32 $0xFFFFFFF0, v54  }
0x211: {  	v3 =	vor.u32 v3, v4  }
0x212: {  	v4 =	vperm.xlane v3, v0;
	_ =	sdelay $0x1  }
0x213: {  	v3 =	vperm.xlane v3, v2;
	v4 =	vadd.s32 v1, v4;
	_ =	sdelay $0x1  }
0x214: {  	s0 =	sld [smem:$0x7E6];
	v3 =	vadd.s32 v1, v3;
	_ =	sdelay $0x1  }
0x215: {  	s3 =	sld [smem:$0x7E7]  }
0x216: {  	[tilespmem:s0], [sflag:$0x3] =	stream.indirect_vreg.gather [hbm4b:s7+s2], $0x80, v4, vm0, $0xb8;
	[tilespmem:$0x19000] =	vst v63  }
0x217: {  	_ = 	snop  }
0x218: {  	[tilespmem:s3], [sflag:$0x3] =	stream.indirect_vreg.gather [hbm4b:s7+s2], $0x80, v3, vm0, $0xb8;
	[tilespmem:$0x19000] =	vst v63  }
0x219: {  	v3 =	vld [tilespmem:s28+$0xB0];
	_ =	sdelay $0x4  }
0x21a: {  	v55 =	vshll.u32 v3, $0x1  }
0x21b: {  	v3 =	vand.u32 $0x7, v3;
	v4 =	vand.u32 $0xFFFFFFF0, v55  }
0x21c: {  	v3 =	vor.u32 v3, v4  }
0x21d: {  	v4 =	vperm.xlane v3, v0;
	_ =	sdelay $0x1  }
0x21e: {  	v3 =	vperm.xlane v3, v2;
	v4 =	vadd.s32 v1, v4;
	_ =	sdelay $0x1  }
0x21f: {  	s0 =	sld [smem:$0x7E8];
	v3 =	vadd.s32 v1, v3;
	_ =	sdelay $0x1  }
0x220: {  	s3 =	sld [smem:$0x7E9]  }
0x221: {  	[tilespmem:s0], [sflag:$0x3] =	stream.indirect_vreg.gather [hbm4b:s7+s2], $0x80, v4, vm0, $0xb8;
	[tilespmem:$0x19000] =	vst v63  }
0x222: {  	_ = 	snop  }
0x223: {  	[tilespmem:s3], [sflag:$0x3] =	stream.indirect_vreg.gather [hbm4b:s7+s2], $0x80, v3, vm0, $0xb8;
	[tilespmem:$0x19000] =	vst v63  }
0x224: {  	v3 =	vld [tilespmem:s26+$0x40];
	_ =	sdelay $0x4  }
0x225: {  	v56 =	vshll.u32 v3, $0x1  }
0x226: {  	v3 =	vand.u32 $0x7, v3;
	v4 =	vand.u32 $0xFFFFFFF0, v56  }
0x227: {  	v3 =	vor.u32 v3, v4  }
0x228: {  	v4 =	vperm.xlane v3, v0;
	_ =	sdelay $0x1  }
0x229: {  	v3 =	vperm.xlane v3, v2;
	v4 =	vadd.s32 v1, v4;
	_ =	sdelay $0x1  }
0x22a: {  	s0 =	sld [smem:$0x7EA];
	v3 =	vadd.s32 v1, v3;
	_ =	sdelay $0x1  }
0x22b: {  	s3 =	sld [smem:$0x7EC]  }
0x22c: {  	[tilespmem:s0], [sflag:$0x3] =	stream.indirect_vreg.gather [hbm4b:s8+s2], $0x80, v4, vm0, $0xb8;
	[tilespmem:$0x19000] =	vst v63  }
0x22d: {  	_ = 	snop  }
0x22e: {  	[tilespmem:s3], [sflag:$0x3] =	stream.indirect_vreg.gather [hbm4b:s8+s2], $0x80, v3, vm0, $0xb8;
	[tilespmem:$0x19000] =	vst v63  }
0x22f: {  	v3 =	vld [tilespmem:s26+$0x50];
	_ =	sdelay $0x4  }
0x230: {  	v57 =	vshll.u32 v3, $0x1  }
0x231: {  	v3 =	vand.u32 $0x7, v3;
	v4 =	vand.u32 $0xFFFFFFF0, v57  }
0x232: {  	v3 =	vor.u32 v3, v4  }
0x233: {  	v4 =	vperm.xlane v3, v0;
	_ =	sdelay $0x1  }
0x234: {  	v3 =	vperm.xlane v3, v2;
	v4 =	vadd.s32 v1, v4;
	_ =	sdelay $0x1  }
0x235: {  	s0 =	sld [smem:$0x7EE];
	v3 =	vadd.s32 v1, v3;
	_ =	sdelay $0x1  }
0x236: {  	s3 =	sld [smem:$0x7F0]  }
0x237: {  	[tilespmem:s0], [sflag:$0x3] =	stream.indirect_vreg.gather [hbm4b:s8+s2], $0x80, v4, vm0, $0xb8;
	[tilespmem:$0x19000] =	vst v63  }
0x238: {  	_ = 	snop  }
0x239: {  	[tilespmem:s3], [sflag:$0x3] =	stream.indirect_vreg.gather [hbm4b:s8+s2], $0x80, v3, vm0, $0xb8;
	[tilespmem:$0x19000] =	vst v63  }
0x23a: {  	v3 =	vld [tilespmem:s26+$0x60];
	_ =	sdelay $0x4  }
0x23b: {  	v58 =	vshll.u32 v3, $0x1  }
0x23c: {  	v3 =	vand.u32 $0x7, v3;
	v4 =	vand.u32 $0xFFFFFFF0, v58  }
0x23d: {  	v3 =	vor.u32 v3, v4  }
0x23e: {  	v4 =	vperm.xlane v3, v0;
	_ =	sdelay $0x1  }
0x23f: {  	v3 =	vperm.xlane v3, v2;
	v4 =	vadd.s32 v1, v4;
	_ =	sdelay $0x1  }
0x240: {  	s0 =	sld [smem:$0x7F2];
	v3 =	vadd.s32 v1, v3;
	_ =	sdelay $0x1  }
0x241: {  	s3 =	sld [smem:$0x7F3]  }
0x242: {  	[tilespmem:s0], [sflag:$0x3] =	stream.indirect_vreg.gather [hbm4b:s8+s2], $0x80, v4, vm0, $0xb8;
	[tilespmem:$0x19000] =	vst v63  }
0x243: {  	_ = 	snop  }
0x244: {  	[tilespmem:s3], [sflag:$0x3] =	stream.indirect_vreg.gather [hbm4b:s8+s2], $0x80, v3, vm0, $0xb8;
	[tilespmem:$0x19000] =	vst v63  }
0x245: {  	v3 =	vld [tilespmem:s26+$0x70];
	_ =	sdelay $0x4  }
0x246: {  	v59 =	vshll.u32 v3, $0x1  }
0x247: {  	v3 =	vand.u32 $0x7, v3;
	v4 =	vand.u32 $0xFFFFFFF0, v59  }
0x248: {  	v3 =	vor.u32 v3, v4  }
0x249: {  	v4 =	vperm.xlane v3, v0;
	_ =	sdelay $0x1  }
0x24a: {  	v3 =	vperm.xlane v3, v2;
	v4 =	vadd.s32 v1, v4;
	_ =	sdelay $0x1  }
0x24b: {  	s0 =	sld [smem:$0x7F4];
	v3 =	vadd.s32 v1, v3;
	_ =	sdelay $0x1  }
0x24c: {  	s3 =	sld [smem:$0x7F5]  }
0x24d: {  	[tilespmem:s0], [sflag:$0x3] =	stream.indirect_vreg.gather [hbm4b:s8+s2], $0x80, v4, vm0, $0xb8;
	[tilespmem:$0x19000] =	vst v63  }
0x24e: {  	_ = 	snop  }
0x24f: {  	[tilespmem:s3], [sflag:$0x3] =	stream.indirect_vreg.gather [hbm4b:s8+s2], $0x80, v3, vm0, $0xb8;
	[tilespmem:$0x19000] =	vst v63  }
0x250: {  	v3 =	vld [tilespmem:s26+$0x80];
	_ =	sdelay $0x4  }
0x251: {  	v60 =	vshll.u32 v3, $0x1  }
0x252: {  	v3 =	vand.u32 $0x7, v3;
	v4 =	vand.u32 $0xFFFFFFF0, v60  }
0x253: {  	v3 =	vor.u32 v3, v4  }
0x254: {  	v4 =	vperm.xlane v3, v0;
	_ =	sdelay $0x1  }
0x255: {  	v3 =	vperm.xlane v3, v2;
	v4 =	vadd.s32 v1, v4;
	_ =	sdelay $0x1  }
0x256: {  	s0 =	sld [smem:$0x7F6];
	v3 =	vadd.s32 v1, v3;
	_ =	sdelay $0x1  }
0x257: {  	s3 =	sld [smem:$0x7F7]  }
0x258: {  	[tilespmem:s0], [sflag:$0x3] =	stream.indirect_vreg.gather [hbm4b:s8+s2], $0x80, v4, vm0, $0xb8;
	[tilespmem:$0x19000] =	vst v63  }
0x259: {  	_ = 	snop  }
0x25a: {  	[tilespmem:s3], [sflag:$0x3] =	stream.indirect_vreg.gather [hbm4b:s8+s2], $0x80, v3, vm0, $0xb8;
	[tilespmem:$0x19000] =	vst v63  }
0x25b: {  	v3 =	vld [tilespmem:s26+$0x90];
	_ =	sdelay $0x4  }
0x25c: {  	v61 =	vshll.u32 v3, $0x1  }
0x25d: {  	v3 =	vand.u32 $0x7, v3;
	v4 =	vand.u32 $0xFFFFFFF0, v61  }
0x25e: {  	v3 =	vor.u32 v3, v4  }
0x25f: {  	v4 =	vperm.xlane v3, v0;
	_ =	sdelay $0x1  }
0x260: {  	v3 =	vperm.xlane v3, v2;
	v4 =	vadd.s32 v1, v4;
	_ =	sdelay $0x1  }
0x261: {  	s0 =	sld [smem:$0x7F8];
	v3 =	vadd.s32 v1, v3;
	_ =	sdelay $0x1  }
0x262: {  	s3 =	sld [smem:$0x7F9]  }
0x263: {  	[tilespmem:s0], [sflag:$0x3] =	stream.indirect_vreg.gather [hbm4b:s8+s2], $0x80, v4, vm0, $0xb8;
	[tilespmem:$0x19000] =	vst v63  }
0x264: {  	_ = 	snop  }
0x265: {  	[tilespmem:s3], [sflag:$0x3] =	stream.indirect_vreg.gather [hbm4b:s8+s2], $0x80, v3, vm0, $0xb8;
	[tilespmem:$0x19000] =	vst v63  }
0x266: {  	v3 =	vld [tilespmem:s26+$0xA0];
	_ =	sdelay $0x4  }
0x267: {  	v62 =	vshll.u32 v3, $0x1  }
0x268: {  	v3 =	vand.u32 $0x7, v3;
	v4 =	vand.u32 $0xFFFFFFF0, v62  }
0x269: {  	v3 =	vor.u32 v3, v4  }
0x26a: {  	v4 =	vperm.xlane v3, v0;
	_ =	sdelay $0x1  }
0x26b: {  	v3 =	vperm.xlane v3, v2;
	v4 =	vadd.s32 v1, v4;
	_ =	sdelay $0x1  }
0x26c: {  	s0 =	sld [smem:$0x7FA];
	v3 =	vadd.s32 v1, v3;
	_ =	sdelay $0x1  }
0x26d: {  	s3 =	sld [smem:$0x7FB]  }
0x26e: {  	[tilespmem:s0], [sflag:$0x3] =	stream.indirect_vreg.gather [hbm4b:s8+s2], $0x80, v4, vm0, $0xb8;
	[tilespmem:$0x19000] =	vst v63  }
0x26f: {  	_ = 	snop  }
0x270: {  	[tilespmem:s3], [sflag:$0x3] =	stream.indirect_vreg.gather [hbm4b:s8+s2], $0x80, v3, vm0, $0xb8;
	[tilespmem:$0x19000] =	vst v63  }
0x271: {  	v3 =	vld [tilespmem:s26+$0xB0];
	_ =	sdelay $0x4  }
0x272: {  	v63 =	vshll.u32 v3, $0x1  }
0x273: {  	v3 =	vand.u32 $0x7, v3;
	v4 =	vand.u32 $0xFFFFFFF0, v63  }
0x274: {  	v3 =	vor.u32 v3, v4  }
0x275: {  	v4 =	vperm.xlane v3, v0;
	_ =	sdelay $0x1  }
0x276: {  	v3 =	vperm.xlane v3, v2;
	v4 =	vadd.s32 v1, v4;
	_ =	sdelay $0x1  }
0x277: {  	s0 =	sld [smem:$0x7FC];
	v3 =	vadd.s32 v1, v3;
	_ =	sdelay $0x1  }
0x278: {  	s3 =	sld [smem:$0x7FD]  }
0x279: {  	[tilespmem:s0], [sflag:$0x3] =	stream.indirect_vreg.gather [hbm4b:s8+s2], $0x80, v4, vm0, $0xb8;
	[tilespmem:$0x19000] =	vst v63  }
0x27a: {  	_ = 	snop  }
0x27b: {  	[tilespmem:s3], [sflag:$0x3] =	stream.indirect_vreg.gather [hbm4b:s8+s2], $0x80, v3, vm0, $0xb8;
	[tilespmem:$0x19000] =	vst v63  }
0x27c: {  	s0 =	smov.u32 s29;
	s29 =	sadd.s32 $0x18000, s29;
	_ =	swait.ge [sflag:s4], $0x4000  }
0x27d: {  	s0 =	simm.s32 @p0 $0x0;
	p0 =	sne.s32 s29, $0x78000;
	[sflag:s4] =	ssyncset.done $0x0  }
.Ltmp0:
0x27e: {  	[sflag:s4] =	ssyncadd.s32 $0xFFFFC000;
	(pc) =	sbr.rel @p0 .LBB2_2-.Ltmp0, $4  }
0x27f: {  	s31 =	simm.s32 $0x1800;
	s0 =	sadd.s32 s0, s9;
	_ =	swait.ge [sflag:s4], $0x4000  }
0x280: {  	s28 =	sadd.s32 $0x180, s28;
	s0 =	sshrl.u32 s0, $0x3;
	[sflag:s4] =	ssyncset.done $0x0  }
0x281: {  	s26 =	sadd.s32 $0x180, s26;
	s0 =	sadd.s32 s1, s0;
	[sflag:s4] =	ssyncadd.s32 $0xFFFFC000  }
0x282: {  	[hbm4b:s0+s2] =	stream.linear.scatter [tilespmem:s16], [sflag:$0x4], $0x8000, $0x38;
	[tilespmem:$0x19000] =	vst v63  }
0x283: {  	s3 =	simm.s32 $0x4  }
0x284: {  	_ =	swait.ge [sflag:s3], $0x8000  }
0x285: {  	[sflag:s3] =	ssyncset.done $0x0  }
0x286: {  	[sflag:s3] =	ssyncadd.s32 $0xFFFF8000  }
0x287: {  	v3 =	vld [tilespmem:$0x780];
	_ =	sdelay $0x4  }
0x288: {  	v4 =	vshll.u32 v3, $0x1  }
0x289: {  	v3 =	vand.u32 $0x7, v3;
	v4 =	vand.u32 $0xFFFFFFF0, v4  }
0x28a: {  	v3 =	vor.u32 v3, v4  }
0x28b: {  	v4 =	vperm.xlane v3, v0;
	_ =	sdelay $0x1  }
0x28c: {  	v3 =	vperm.xlane v3, v2;
	v4 =	vadd.s32 v1, v4;
	_ =	sdelay $0x1  }
0x28d: {  	v3 =	vadd.s32 v1, v3;
	_ =	sdelay $0x2  }
0x28e: {  	[tilespmem:s16], [sflag:$0x1] =	stream.indirect_vreg.gather [hbm4b:s7+s2], $0x80, v4, vm0, $0xb8;
	[tilespmem:$0x19000] =	vst v63  }
0x28f: {  	_ = 	snop  }
0x290: {  	[tilespmem:s31], [sflag:$0x1] =	stream.indirect_vreg.gather [hbm4b:s7+s2], $0x80, v3, vm0, $0xb8;
	[tilespmem:$0x19000] =	vst v63  }
0x291: {  	v3 =	vld [tilespmem:$0x790];
	_ =	sdelay $0x4  }
0x292: {  	v49 =	vshll.u32 v3, $0x1  }
0x293: {  	v3 =	vand.u32 $0x7, v3;
	v4 =	vand.u32 $0xFFFFFFF0, v49  }
0x294: {  	v3 =	vor.u32 v3, v4  }
0x295: {  	v4 =	vperm.xlane v3, v0;
	_ =	sdelay $0x1  }
0x296: {  	v3 =	vperm.xlane v3, v2;
	v4 =	vadd.s32 v1, v4;
	_ =	sdelay $0x1  }
0x297: {  	v3 =	vadd.s32 v1, v3;
	_ =	sdelay $0x2  }
0x298: {  	[tilespmem:s15], [sflag:$0x1] =	stream.indirect_vreg.gather [hbm4b:s7+s2], $0x80, v4, vm0, $0xb8;
	[tilespmem:$0x19000] =	vst v63  }
0x299: {  	_ = 	snop  }
0x29a: {  	[tilespmem:s5], [sflag:$0x1] =	stream.indirect_vreg.gather [hbm4b:s7+s2], $0x80, v3, vm0, $0xb8;
	[tilespmem:$0x19000] =	vst v63  }
0x29b: {  	v3 =	vld [tilespmem:$0x7A0];
	_ =	sdelay $0x4  }
0x29c: {  	v50 =	vshll.u32 v3, $0x1  }
0x29d: {  	v3 =	vand.u32 $0x7, v3;
	v4 =	vand.u32 $0xFFFFFFF0, v50  }
0x29e: {  	v3 =	vor.u32 v3, v4  }
0x29f: {  	v4 =	vperm.xlane v3, v0;
	_ =	sdelay $0x1  }
0x2a0: {  	v3 =	vperm.xlane v3, v2;
	v4 =	vadd.s32 v1, v4;
	_ =	sdelay $0x1  }
0x2a1: {  	v3 =	vadd.s32 v1, v3;
	_ =	sdelay $0x2  }
0x2a2: {  	[tilespmem:s6], [sflag:$0x1] =	stream.indirect_vreg.gather [hbm4b:s7+s2], $0x80, v4, vm0, $0xb8;
	[tilespmem:$0x19000] =	vst v63  }
0x2a3: {  	_ = 	snop  }
0x2a4: {  	[tilespmem:s10], [sflag:$0x1] =	stream.indirect_vreg.gather [hbm4b:s7+s2], $0x80, v3, vm0, $0xb8;
	[tilespmem:$0x19000] =	vst v63  }
0x2a5: {  	v3 =	vld [tilespmem:$0x7B0];
	_ =	sdelay $0x4  }
0x2a6: {  	v51 =	vshll.u32 v3, $0x1  }
0x2a7: {  	v3 =	vand.u32 $0x7, v3;
	v4 =	vand.u32 $0xFFFFFFF0, v51  }
0x2a8: {  	v3 =	vor.u32 v3, v4  }
0x2a9: {  	v4 =	vperm.xlane v3, v0;
	_ =	sdelay $0x1  }
0x2aa: {  	v3 =	vperm.xlane v3, v2;
	v4 =	vadd.s32 v1, v4;
	_ =	sdelay $0x1  }
0x2ab: {  	v3 =	vadd.s32 v1, v3;
	_ =	sdelay $0x2  }
0x2ac: {  	[tilespmem:s11], [sflag:$0x1] =	stream.indirect_vreg.gather [hbm4b:s7+s2], $0x80, v4, vm0, $0xb8;
	[tilespmem:$0x19000] =	vst v63  }
0x2ad: {  	_ = 	snop  }
0x2ae: {  	[tilespmem:s12], [sflag:$0x1] =	stream.indirect_vreg.gather [hbm4b:s7+s2], $0x80, v3, vm0, $0xb8;
	[tilespmem:$0x19000] =	vst v63  }
0x2af: {  	v3 =	vld [tilespmem:$0x7C0];
	_ =	sdelay $0x4  }
0x2b0: {  	v52 =	vshll.u32 v3, $0x1  }
0x2b1: {  	v3 =	vand.u32 $0x7, v3;
	v4 =	vand.u32 $0xFFFFFFF0, v52  }
0x2b2: {  	v3 =	vor.u32 v3, v4  }
0x2b3: {  	v4 =	vperm.xlane v3, v0;
	_ =	sdelay $0x1  }
0x2b4: {  	v3 =	vperm.xlane v3, v2;
	v4 =	vadd.s32 v1, v4;
	_ =	sdelay $0x1  }
0x2b5: {  	v3 =	vadd.s32 v1, v3;
	_ =	sdelay $0x2  }
0x2b6: {  	[tilespmem:s13], [sflag:$0x1] =	stream.indirect_vreg.gather [hbm4b:s7+s2], $0x80, v4, vm0, $0xb8;
	[tilespmem:$0x19000] =	vst v63  }
0x2b7: {  	_ = 	snop  }
0x2b8: {  	[tilespmem:s14], [sflag:$0x1] =	stream.indirect_vreg.gather [hbm4b:s7+s2], $0x80, v3, vm0, $0xb8;
	[tilespmem:$0x19000] =	vst v63  }
0x2b9: {  	v3 =	vld [tilespmem:$0x7D0];
	_ =	sdelay $0x4  }
0x2ba: {  	v53 =	vshll.u32 v3, $0x1  }
0x2bb: {  	v3 =	vand.u32 $0x7, v3;
	v4 =	vand.u32 $0xFFFFFFF0, v53  }
0x2bc: {  	v3 =	vor.u32 v3, v4  }
0x2bd: {  	v4 =	vperm.xlane v3, v0;
	_ =	sdelay $0x1  }
0x2be: {  	v3 =	vperm.xlane v3, v2;
	v4 =	vadd.s32 v1, v4;
	_ =	sdelay $0x1  }
0x2bf: {  	v3 =	vadd.s32 v1, v3;
	_ =	sdelay $0x2  }
0x2c0: {  	[tilespmem:s17], [sflag:$0x1] =	stream.indirect_vreg.gather [hbm4b:s7+s2], $0x80, v4, vm0, $0xb8;
	[tilespmem:$0x19000] =	vst v63  }
0x2c1: {  	_ = 	snop  }
0x2c2: {  	[tilespmem:s18], [sflag:$0x1] =	stream.indirect_vreg.gather [hbm4b:s7+s2], $0x80, v3, vm0, $0xb8;
	[tilespmem:$0x19000] =	vst v63  }
0x2c3: {  	v3 =	vld [tilespmem:$0x7E0];
	_ =	sdelay $0x4  }
0x2c4: {  	v54 =	vshll.u32 v3, $0x1  }
0x2c5: {  	v3 =	vand.u32 $0x7, v3;
	v4 =	vand.u32 $0xFFFFFFF0, v54  }
0x2c6: {  	v3 =	vor.u32 v3, v4  }
0x2c7: {  	v4 =	vperm.xlane v3, v0;
	_ =	sdelay $0x1  }
0x2c8: {  	v3 =	vperm.xlane v3, v2;
	v4 =	vadd.s32 v1, v4;
	_ =	sdelay $0x1  }
0x2c9: {  	v3 =	vadd.s32 v1, v3;
	_ =	sdelay $0x2  }
0x2ca: {  	[tilespmem:s19], [sflag:$0x1] =	stream.indirect_vreg.gather [hbm4b:s7+s2], $0x80, v4, vm0, $0xb8;
	[tilespmem:$0x19000] =	vst v63  }
0x2cb: {  	_ = 	snop  }
0x2cc: {  	[tilespmem:s20], [sflag:$0x1] =	stream.indirect_vreg.gather [hbm4b:s7+s2], $0x80, v3, vm0, $0xb8;
	[tilespmem:$0x19000] =	vst v63  }
0x2cd: {  	v3 =	vld [tilespmem:$0x7F0];
	_ =	sdelay $0x4  }
0x2ce: {  	v55 =	vshll.u32 v3, $0x1  }
0x2cf: {  	v3 =	vand.u32 $0x7, v3;
	v4 =	vand.u32 $0xFFFFFFF0, v55  }
0x2d0: {  	v3 =	vor.u32 v3, v4  }
0x2d1: {  	v4 =	vperm.xlane v3, v0;
	_ =	sdelay $0x1  }
0x2d2: {  	v3 =	vperm.xlane v3, v2;
	v4 =	vadd.s32 v1, v4;
	_ =	sdelay $0x1  }
0x2d3: {  	v3 =	vadd.s32 v1, v3;
	_ =	sdelay $0x2  }
0x2d4: {  	[tilespmem:s21], [sflag:$0x1] =	stream.indirect_vreg.gather [hbm4b:s7+s2], $0x80, v4, vm0, $0xb8;
	[tilespmem:$0x19000] =	vst v63  }
0x2d5: {  	_ = 	snop  }
0x2d6: {  	[tilespmem:s22], [sflag:$0x1] =	stream.indirect_vreg.gather [hbm4b:s7+s2], $0x80, v3, vm0, $0xb8;
	[tilespmem:$0x19000] =	vst v63  }
0x2d7: {  	v3 =	vld [tilespmem:$0xF80];
	_ =	sdelay $0x4  }
0x2d8: {  	v56 =	vshll.u32 v3, $0x1  }
0x2d9: {  	v3 =	vand.u32 $0x7, v3;
	v4 =	vand.u32 $0xFFFFFFF0, v56  }
0x2da: {  	v3 =	vor.u32 v3, v4  }
0x2db: {  	v4 =	vperm.xlane v3, v0;
	_ =	sdelay $0x1  }
0x2dc: {  	v3 =	vperm.xlane v3, v2;
	v4 =	vadd.s32 v1, v4;
	_ =	sdelay $0x1  }
0x2dd: {  	v3 =	vadd.s32 v1, v3;
	_ =	sdelay $0x2  }
0x2de: {  	[tilespmem:s23], [sflag:$0x1] =	stream.indirect_vreg.gather [hbm4b:s8+s2], $0x80, v4, vm0, $0xb8;
	[tilespmem:$0x19000] =	vst v63  }
0x2df: {  	_ = 	snop  }
0x2e0: {  	[tilespmem:s24], [sflag:$0x1] =	stream.indirect_vreg.gather [hbm4b:s8+s2], $0x80, v3, vm0, $0xb8;
	[tilespmem:$0x19000] =	vst v63  }
0x2e1: {  	v3 =	vld [tilespmem:$0xF90];
	_ =	sdelay $0x4  }
0x2e2: {  	v57 =	vshll.u32 v3, $0x1  }
0x2e3: {  	v3 =	vand.u32 $0x7, v3;
	v4 =	vand.u32 $0xFFFFFFF0, v57  }
0x2e4: {  	v3 =	vor.u32 v3, v4  }
0x2e5: {  	v4 =	vperm.xlane v3, v0;
	_ =	sdelay $0x1  }
0x2e6: {  	v3 =	vperm.xlane v3, v2;
	v4 =	vadd.s32 v1, v4;
	_ =	sdelay $0x1  }
0x2e7: {  	v3 =	vadd.s32 v1, v3;
	_ =	sdelay $0x2  }
0x2e8: {  	[tilespmem:s25], [sflag:$0x1] =	stream.indirect_vreg.gather [hbm4b:s8+s2], $0x80, v4, vm0, $0xb8;
	[tilespmem:$0x19000] =	vst v63  }
0x2e9: {  	s0 =	simm.s32 $0x2C00  }
0x2ea: {  	[tilespmem:s0], [sflag:$0x1] =	stream.indirect_vreg.gather [hbm4b:s8+s2], $0x80, v3, vm0, $0xb8;
	[tilespmem:$0x19000] =	vst v63  }
0x2eb: {  	v3 =	vld [tilespmem:$0xFA0];
	_ =	sdelay $0x4  }
0x2ec: {  	v58 =	vshll.u32 v3, $0x1  }
0x2ed: {  	v3 =	vand.u32 $0x7, v3;
	v4 =	vand.u32 $0xFFFFFFF0, v58  }
0x2ee: {  	v3 =	vor.u32 v3, v4  }
0x2ef: {  	v4 =	vperm.xlane v3, v0;
	_ =	sdelay $0x1  }
0x2f0: {  	v3 =	vperm.xlane v3, v2;
	v4 =	vadd.s32 v1, v4;
	_ =	sdelay $0x1  }
0x2f1: {  	v3 =	vadd.s32 v1, v3;
	_ =	sdelay $0x1  }
0x2f2: {  	s29 =	simm.s32 $0x3400  }
0x2f3: {  	[tilespmem:s29], [sflag:$0x1] =	stream.indirect_vreg.gather [hbm4b:s8+s2], $0x80, v4, vm0, $0xb8;
	[tilespmem:$0x19000] =	vst v63  }
0x2f4: {  	s5 =	simm.s32 $0x3C00  }
0x2f5: {  	[tilespmem:s5], [sflag:$0x1] =	stream.indirect_vreg.gather [hbm4b:s8+s2], $0x80, v3, vm0, $0xb8;
	[tilespmem:$0x19000] =	vst v63  }
0x2f6: {  	v3 =	vld [tilespmem:$0xFB0];
	_ =	sdelay $0x4  }
0x2f7: {  	v59 =	vshll.u32 v3, $0x1  }
0x2f8: {  	v3 =	vand.u32 $0x7, v3;
	v4 =	vand.u32 $0xFFFFFFF0, v59  }
0x2f9: {  	v3 =	vor.u32 v3, v4  }
0x2fa: {  	v4 =	vperm.xlane v3, v0;
	_ =	sdelay $0x1  }
0x2fb: {  	v3 =	vperm.xlane v3, v2;
	v4 =	vadd.s32 v1, v4;
	_ =	sdelay $0x1  }
0x2fc: {  	v3 =	vadd.s32 v1, v3;
	_ =	sdelay $0x1  }
0x2fd: {  	s26 =	simm.s32 $0x4400  }
0x2fe: {  	[tilespmem:s26], [sflag:$0x1] =	stream.indirect_vreg.gather [hbm4b:s8+s2], $0x80, v4, vm0, $0xb8;
	[tilespmem:$0x19000] =	vst v63  }
0x2ff: {  	s28 =	simm.s32 $0x4C00  }
0x300: {  	[tilespmem:s28], [sflag:$0x1] =	stream.indirect_vreg.gather [hbm4b:s8+s2], $0x80, v3, vm0, $0xb8;
	[tilespmem:$0x19000] =	vst v63  }
0x301: {  	v3 =	vld [tilespmem:$0xFC0];
	_ =	sdelay $0x4  }
0x302: {  	v60 =	vshll.u32 v3, $0x1  }
0x303: {  	v3 =	vand.u32 $0x7, v3;
	v4 =	vand.u32 $0xFFFFFFF0, v60  }
0x304: {  	v3 =	vor.u32 v3, v4  }
0x305: {  	v4 =	vperm.xlane v3, v0;
	_ =	sdelay $0x1  }
0x306: {  	v3 =	vperm.xlane v3, v2;
	v4 =	vadd.s32 v1, v4;
	_ =	sdelay $0x1  }
0x307: {  	v3 =	vadd.s32 v1, v3;
	_ =	sdelay $0x1  }
0x308: {  	s29 =	simm.s32 $0x5400  }
0x309: {  	[tilespmem:s29], [sflag:$0x1] =	stream.indirect_vreg.gather [hbm4b:s8+s2], $0x80, v4, vm0, $0xb8;
	[tilespmem:$0x19000] =	vst v63  }
0x30a: {  	s5 =	simm.s32 $0x5C00  }
0x30b: {  	[tilespmem:s5], [sflag:$0x1] =	stream.indirect_vreg.gather [hbm4b:s8+s2], $0x80, v3, vm0, $0xb8;
	[tilespmem:$0x19000] =	vst v63  }
0x30c: {  	v3 =	vld [tilespmem:$0xFD0];
	_ =	sdelay $0x4  }
0x30d: {  	v61 =	vshll.u32 v3, $0x1  }
0x30e: {  	v3 =	vand.u32 $0x7, v3;
	v4 =	vand.u32 $0xFFFFFFF0, v61  }
0x30f: {  	v3 =	vor.u32 v3, v4  }
0x310: {  	v4 =	vperm.xlane v3, v0;
	_ =	sdelay $0x1  }
0x311: {  	v3 =	vperm.xlane v3, v2;
	v4 =	vadd.s32 v1, v4;
	_ =	sdelay $0x1  }
0x312: {  	v3 =	vadd.s32 v1, v3;
	_ =	sdelay $0x1  }
0x313: {  	s26 =	simm.s32 $0x6400  }
0x314: {  	[tilespmem:s26], [sflag:$0x1] =	stream.indirect_vreg.gather [hbm4b:s8+s2], $0x80, v4, vm0, $0xb8;
	[tilespmem:$0x19000] =	vst v63  }
0x315: {  	s28 =	simm.s32 $0x6C00  }
0x316: {  	[tilespmem:s28], [sflag:$0x1] =	stream.indirect_vreg.gather [hbm4b:s8+s2], $0x80, v3, vm0, $0xb8;
	[tilespmem:$0x19000] =	vst v63  }
0x317: {  	v3 =	vld [tilespmem:$0xFE0];
	_ =	sdelay $0x4  }
0x318: {  	v62 =	vshll.u32 v3, $0x1  }
0x319: {  	v3 =	vand.u32 $0x7, v3;
	v4 =	vand.u32 $0xFFFFFFF0, v62  }
0x31a: {  	v3 =	vor.u32 v3, v4  }
0x31b: {  	v4 =	vperm.xlane v3, v0;
	_ =	sdelay $0x1  }
0x31c: {  	v3 =	vperm.xlane v3, v2;
	v4 =	vadd.s32 v1, v4;
	_ =	sdelay $0x1  }
0x31d: {  	v3 =	vadd.s32 v1, v3;
	_ =	sdelay $0x1  }
0x31e: {  	s29 =	simm.s32 $0x7400  }
0x31f: {  	[tilespmem:s29], [sflag:$0x1] =	stream.indirect_vreg.gather [hbm4b:s8+s2], $0x80, v4, vm0, $0xb8;
	[tilespmem:$0x19000] =	vst v63  }
0x320: {  	s5 =	simm.s32 $0x7C00  }
0x321: {  	[tilespmem:s5], [sflag:$0x1] =	stream.indirect_vreg.gather [hbm4b:s8+s2], $0x80, v3, vm0, $0xb8;
	[tilespmem:$0x19000] =	vst v63  }
0x322: {  	v3 =	vld [tilespmem:$0xFF0];
	_ =	sdelay $0x4  }
0x323: {  	v63 =	vshll.u32 v3, $0x1  }
0x324: {  	v3 =	vand.u32 $0x7, v3;
	v4 =	vand.u32 $0xFFFFFFF0, v63  }
0x325: {  	v3 =	vor.u32 v3, v4  }
0x326: {  	v4 =	vperm.xlane v3, v0;
	_ =	sdelay $0x1  }
0x327: {  	v3 =	vperm.xlane v3, v2;
	v4 =	vadd.s32 v1, v4;
	_ =	sdelay $0x1  }
0x328: {  	v3 =	vadd.s32 v1, v3;
	_ =	sdelay $0x1  }
0x329: {  	s26 =	simm.s32 $0x8400  }
0x32a: {  	[tilespmem:s26], [sflag:$0x1] =	stream.indirect_vreg.gather [hbm4b:s8+s2], $0x80, v4, vm0, $0xb8;
	[tilespmem:$0x19000] =	vst v63  }
0x32b: {  	s28 =	simm.s32 $0x8C00;
	s29 =	simm.s32 $0x2  }
0x32c: {  	[tilespmem:s28], [sflag:$0x1] =	stream.indirect_vreg.gather [hbm4b:s8+s2], $0x80, v3, vm0, $0xb8;
	[tilespmem:$0x19000] =	vst v63  }
0x32d: {  	_ =	swait.ge [sflag:s29], $0x4000  }
0x32e: {  	[sflag:s29] =	ssyncset.done $0x0  }
0x32f: {  	[sflag:s29] =	ssyncadd.s32 $0xFFFFC000  }
0x330: {  	_ =	swait.ge [sflag:s29], $0x4000  }
0x331: {  	s5 =	sld [smem:$0x7EB]  }
0x332: {  	[sflag:s29] =	ssyncset.done $0x0  }
0x333: {  	s26 =	simm.s32 $0x9000;
	s28 =	simm.s32 $0x3;
	[sflag:s29] =	ssyncadd.s32 $0xFFFFC000  }
0x334: {  	[hbm4b:s5+s2] =	stream.linear.scatter [tilespmem:s26], [sflag:$0x5], $0x8000, $0x38;
	[tilespmem:$0x19000] =	vst v63  }
0x335: {  	_ =	swait.ge [sflag:s28], $0x4000  }
0x336: {  	[sflag:s28] =	ssyncset.done $0x0  }
0x337: {  	[sflag:s28] =	ssyncadd.s32 $0xFFFFC000  }
0x338: {  	_ =	swait.ge [sflag:s28], $0x4000  }
0x339: {  	s29 =	sld [smem:$0x7ED]  }
0x33a: {  	[sflag:s28] =	ssyncset.done $0x0  }
0x33b: {  	[sflag:s28] =	ssyncadd.s32 $0xFFFFC000  }
0x33c: {  	[hbm4b:s29+s2] =	stream.linear.scatter [tilespmem:s30], [sflag:$0x6], $0x8000, $0x38;
	[tilespmem:$0x19000] =	vst v63  }
0x33d: {  	_ =	swait.ge [sflag:s4], $0x4000  }
0x33e: {  	[sflag:s4] =	ssyncset.done $0x0  }
0x33f: {  	[sflag:s4] =	ssyncadd.s32 $0xFFFFC000  }
0x340: {  	_ =	swait.ge [sflag:s4], $0x4000  }
0x341: {  	s5 =	sld [smem:$0x7EF]  }
0x342: {  	[sflag:s4] =	ssyncset.done $0x0  }
0x343: {  	s26 =	simm.s32 $0x5;
	[sflag:s4] =	ssyncadd.s32 $0xFFFFC000  }
0x344: {  	[hbm4b:s5+s2] =	stream.linear.scatter [tilespmem:s16], [sflag:$0x4], $0x8000, $0x38;
	[tilespmem:$0x19000] =	vst v63  }
0x345: {  	_ =	swait.ge [sflag:s26], $0x8000  }
0x346: {  	[sflag:s26] =	ssyncset.done $0x0  }
0x347: {  	s28 =	simm.s32 $0x6;
	[sflag:s26] =	ssyncadd.s32 $0xFFFF8000  }
0x348: {  	_ =	swait.ge [sflag:s28], $0x8000  }
0x349: {  	[sflag:s28] =	ssyncset.done $0x0  }
0x34a: {  	[sflag:s28] =	ssyncadd.s32 $0xFFFF8000  }
0x34b: {  	_ =	swait.ge [sflag:s3], $0x8000  }
0x34c: {  	s29 =	sld [smem:$0x7D5]  }
0x34d: {  	s30 =	sld [smem:$0x7F1];
	_ =	sdelay $0x1  }
0x34e: {  	s5 =	sadd.s32 $0x1, s29  }
0x34f: {  	p0 =	sne.s32 s5, s30  }
.Ltmp1:
0x350: {  	_ = 	snop;
	(pc) =	sbr.rel @p0 .LBB2_1-.Ltmp1, $3  }
0x351: {  	_ =	sdelay $0x1  }
0x352: {  	[sflag:s3] =	ssyncset.done $0x0  }
0x353: {  	[sflag:s3] =	ssyncadd.s32 $0xFFFF8000  }
0x354: {  	_ =	sfence.sel $0x180000  }
0x355: {  	[bflag:$0x0] =	sbarrier.arrive $0xFFFF  }
0x356: {  	_ =	strace $0x90000047  }
0x357: {  	s0 =	stileid.u32;
	[bflag:$0x2] =	sbarrier.arrive $0xFFFF  }
0x358: {  	p0 =	sne.s32 s0, $0x0;
	s0 =	rddreg [dreg:$0x3]  }
0x359: {  	s0 =	sadd.s32 @!p0 $0x100000, s0  }
0x35a: {  	[sflag:s0] =	ssyncadd.tile.s32 @!p0 $0x1;
	_ =	shalt  }
.Lfunc_end2:
_tile_overlayer_lowered:
.L_overlay_start_2:
0x35b: {  	(tag) =	ssettag $0x2  }
0x35c: {  	s0 =	rddreg [dreg:$0x0];
	s2 =	stileid.u32  }
0x35d: {  	s1 =	rddreg [dreg:$0x1];
	p0 =	sne.s32 s2, $0x0  }
0x35e: {  	s3 =	rddreg [dreg:$0x2];
	[bflag:$0x3] =	sbarrier.arrive $0xFFFF;
	s2 =	simm.s32 @!p0 $0x1C07  }
0x35f: {  	[timem:s3], [sflag:s2] =	dma.local @!p0 [hbm:s0], s1  }
0x360: {  	s0 =	simm.s32 @!p0 $0x7  }
0x361: {  	_ =	swait.ge @!p0 [sflag:s0], s1  }
0x362: {  	s1 =	ssub.s32 @!p0 $0x0, s1;
	[sflag:s0] =	ssyncset.done @!p0 $0x0  }
0x363: {  	[sflag:s0] =	ssyncadd.s32 @!p0 s1  }
0x364: {  	[bflag:$0x3] =	sbarrier.arrive $0xFFFF  }
0x365: {  	_ =	shalt  }

</sc_bundles>
